<compile_context>
chip_gen: v7x
topology: tpu7x:2x2x1
jax: 0.10.2.dev20260603
libtpu: 0.0.44.dev20260713+nightly
codegen_flags: <defaults>
</compile_context>

<pallas_src>
import functools

import jax
import jax.numpy as jnp
import numpy as np
from jax import lax
from jax.experimental import pallas as pl
from jax.experimental.pallas import tpu as pltpu
from jax.experimental.pallas import tpu_sc as plsc

N_ROWS = 16384
DIM = 256
N_CODES = 8192
DECAY = 0.99
EPS = 1e-5

ROW_BLK = 1024
CODE_CHUNK = 1024
N_ROW_BLKS = N_ROWS // ROW_BLK
N_CODE_CHUNKS = N_CODES // CODE_CHUNK

SC_CORES = 2
SC_SUBCORES = 16
COLS_PER_CORE = DIM // SC_CORES
ROWS_PER_SUB = N_ROWS // SC_SUBCORES
SC_CHUNK = 512
HALF_CODES = N_CODES // 2
HALF_PAD = HALF_CODES + 8
HALF_PER_SUB = HALF_CODES // SC_SUBCORES


def _stats_body(x_ref, mean_ref, var_ref):
    i = pl.program_id(0)
    blk = x_ref[...]
    s = jnp.sum(blk, axis=0, keepdims=True)
    sq = jnp.sum(blk * blk, axis=0, keepdims=True)

    @pl.when(i == 0)
    def _():
        mean_ref[...] = s
        var_ref[...] = sq

    @pl.when(i > 0)
    def _():
        mean_ref[...] += s
        var_ref[...] += sq

    @pl.when(i == N_ROW_BLKS - 1)
    def _():
        m = mean_ref[...] * (1.0 / N_ROWS)
        v = var_ref[...] * (1.0 / N_ROWS) - m * m
        mean_ref[...] = m
        var_ref[...] = v


def _stats(x):
    return pl.pallas_call(
        _stats_body,
        grid=(N_ROW_BLKS,),
        in_specs=[pl.BlockSpec((ROW_BLK, DIM), lambda i: (i, 0))],
        out_specs=[
            pl.BlockSpec((1, DIM), lambda i: (0, 0)),
            pl.BlockSpec((1, DIM), lambda i: (0, 0)),
        ],
        out_shape=[
            jax.ShapeDtypeStruct((1, DIM), jnp.float32),
            jax.ShapeDtypeStruct((1, DIM), jnp.float32),
        ],
    )(x)


def _assign_body(x_ref, emb_ref, mean_ref, var_ref, xn_ref, idxlo_ref,
                 idxhi_ref, e2_ref, iota_ref):
    i = pl.program_id(0)

    @pl.when(i == 0)
    def _():
        et = emb_ref[...].astype(jnp.float32)
        e2_ref[...] = jnp.sum(et * et, axis=0, keepdims=True)
        iota_ref[...] = lax.broadcasted_iota(
            jnp.int32, (1, N_CODES), 1).astype(jnp.float32)

    rstd = lax.rsqrt(var_ref[...] + EPS)
    xn = (x_ref[...] - mean_ref[...]) * rstd
    xn_ref[...] = xn
    xm2 = (xn * (-2.0)).astype(jnp.bfloat16)

    runmin = jnp.full((ROW_BLK, 1), jnp.inf, dtype=jnp.float32)
    runidx = jnp.zeros((ROW_BLK, 1), dtype=jnp.float32)
    for c in range(N_CODE_CHUNKS):
        lo = c * CODE_CHUNK
        d = jnp.dot(xm2, emb_ref[:, lo:lo + CODE_CHUNK],
                    preferred_element_type=jnp.float32)
        d = d + e2_ref[:, lo:lo + CODE_CHUNK]
        m = jnp.min(d, axis=1, keepdims=True)
        cand = jnp.min(jnp.where(d == m, iota_ref[:, lo:lo + CODE_CHUNK],
                                 jnp.float32(1e9)),
                       axis=1, keepdims=True)
        upd = m < runmin
        runidx = jnp.where(upd, cand, runidx)
        runmin = jnp.where(upd, m, runmin)
    runidx = runidx.astype(jnp.int32)
    lo_ok = runidx < HALF_CODES
    idxlo_ref[...] = jnp.where(lo_ok, runidx, HALF_CODES)
    idxhi_ref[...] = jnp.where(lo_ok, HALF_CODES, runidx - HALF_CODES)


def _assign(x, emb_bf, mean, var):
    nrows = x.shape[0]
    return pl.pallas_call(
        _assign_body,
        grid=(nrows // ROW_BLK,),
        in_specs=[
            pl.BlockSpec((ROW_BLK, DIM), lambda i: (i, 0)),
            pl.BlockSpec((DIM, N_CODES), lambda i: (0, 0)),
            pl.BlockSpec((1, DIM), lambda i: (0, 0)),
            pl.BlockSpec((1, DIM), lambda i: (0, 0)),
        ],
        out_specs=[
            pl.BlockSpec((ROW_BLK, DIM), lambda i: (i, 0)),
            pl.BlockSpec((ROW_BLK, 1), lambda i: (i, 0)),
            pl.BlockSpec((ROW_BLK, 1), lambda i: (i, 0)),
        ],
        out_shape=[
            jax.ShapeDtypeStruct((nrows, DIM), jnp.float32),
            jax.ShapeDtypeStruct((nrows, 1), jnp.int32),
            jax.ShapeDtypeStruct((nrows, 1), jnp.int32),
        ],
        scratch_shapes=[pltpu.VMEM((1, N_CODES), jnp.float32),
                        pltpu.VMEM((1, N_CODES), jnp.float32)],
    )(x, emb_bf, mean, var)


def _scatter(xn, idxlo, idxhi, zeros2d, zeros1d, ones1d):
    nrows = xn.shape[0]
    rows_per_sub = nrows // SC_SUBCORES

    def _scatter_body(xn_hbm, idxlo_hbm, idxhi_hbm, z_hbm, z1_hbm, on_hbm,
                      dw_hbm, cnt_hbm, dwsh, cntsh, idx0_v, idx1_v, rows_v,
                      ones_v, sems):
        c = lax.axis_index("core")
        s = lax.axis_index("subcore")
        col0 = c * COLS_PER_CORE
        r0 = s * HALF_PER_SUB
        base = s * rows_per_sub

        rows_d = pltpu.async_copy(
            xn_hbm.at[pl.ds(base, rows_per_sub), pl.ds(col0, COLS_PER_CORE)],
            rows_v, sems.at[0])
        idx0_d = pltpu.async_copy(idxlo_hbm.at[pl.ds(base, rows_per_sub)],
                                  idx0_v, sems.at[1])
        idx1_d = pltpu.async_copy(idxhi_hbm.at[pl.ds(base, rows_per_sub)],
                                  idx1_v, sems.at[2])
        ones_d = pltpu.async_copy(on_hbm, ones_v, sems.at[3])
        zc_d = pltpu.async_copy(z1_hbm.at[pl.ds(r0, HALF_PER_SUB)],
                                cntsh.at[pl.ds(r0, HALF_PER_SUB)], sems.at[4])

        for p, idx_v, idx_d in ((0, idx0_v, idx0_d), (1, idx1_v, idx1_d)):
            z_d = pltpu.async_copy(
                z_hbm.at[pl.ds(r0, HALF_PER_SUB), pl.ds(col0, COLS_PER_CORE)],
                dwsh.at[pl.ds(r0, HALF_PER_SUB)], sems.at[5])
            if p == 0:
                zc_d.wait()
            z_d.wait()
            plsc.subcore_barrier()

            if p == 0:
                rows_d.wait()
            idx_d.wait()
            s_d = pltpu.async_copy(rows_v, dwsh.at[idx_v], sems.at[6], add=True)

            @pl.when(c == p)
            def _():
                if p == 0:
                    ones_d.wait()
                cnt_d = pltpu.async_copy(ones_v, cntsh.at[idx_v], sems.at[7],
                                         add=True)
                cnt_d.wait()

            s_d.wait()
            plsc.subcore_barrier()

            f_d = pltpu.async_copy(
                dwsh.at[pl.ds(r0, HALF_PER_SUB)],
                dw_hbm.at[pl.ds(p * HALF_CODES + r0, HALF_PER_SUB),
                          pl.ds(col0, COLS_PER_CORE)], sems.at[8])

            @pl.when(c == p)
            def _():
                cf_d = pltpu.async_copy(
                    cntsh.at[pl.ds(r0, HALF_PER_SUB)],
                    cnt_hbm.at[pl.ds(p * HALF_CODES + r0, HALF_PER_SUB)],
                    sems.at[9])
                cf_d.wait()

            f_d.wait()
            plsc.subcore_barrier()

    mesh = plsc.VectorSubcoreMesh(core_axis_name="core", subcore_axis_name="subcore")
    f = pl.kernel(
        _scatter_body,
        out_type=[
            jax.ShapeDtypeStruct((N_CODES, DIM), jnp.float32),
            jax.ShapeDtypeStruct((N_CODES,), jnp.float32),
        ],
        mesh=mesh,
        scratch_types=[
            pltpu.VMEM_SHARED((HALF_PAD, COLS_PER_CORE), jnp.float32),
            pltpu.VMEM_SHARED((HALF_PAD,), jnp.float32),
            pltpu.VMEM((rows_per_sub,), jnp.int32),
            pltpu.VMEM((rows_per_sub,), jnp.int32),
            pltpu.VMEM((rows_per_sub, COLS_PER_CORE), jnp.float32),
            pltpu.VMEM((rows_per_sub,), jnp.float32),
            pltpu.SemaphoreType.DMA((10,)),
        ],
    )
    return f(xn, idxlo, idxhi, zeros2d, zeros1d, ones1d)


def _finalize_body(emb_ref, dwa_ref, dwb_ref, cs_ref, cnta_ref, cntb_ref,
                   mean_ref, var_ref, out_ref):
    cs = cs_ref[...]
    dw = dwa_ref[...] + dwb_ref[...]
    cnt = cnta_ref[...] + cntb_ref[...]
    num = cs * emb_ref[...] * DECAY + (1.0 - DECAY) * dw
    den = cs * DECAY + (1.0 - DECAY) * cnt
    unbiased = var_ref[...] * (N_ROWS / (N_ROWS - 1.0))
    running_std = jnp.sqrt(unbiased + EPS)
    out_ref[...] = num / den * running_std + mean_ref[...]


def _finalize(emb, dwa, dwb, cs2d, cnta, cntb, mean, var):
    nblk = 8
    blk = N_CODES // nblk
    return pl.pallas_call(
        _finalize_body,
        grid=(nblk,),
        in_specs=[
            pl.BlockSpec((blk, DIM), lambda i: (i, 0)),
            pl.BlockSpec((blk, DIM), lambda i: (i, 0)),
            pl.BlockSpec((blk, DIM), lambda i: (i, 0)),
            pl.BlockSpec((blk, 1), lambda i: (i, 0)),
            pl.BlockSpec((blk, 1), lambda i: (i, 0)),
            pl.BlockSpec((blk, 1), lambda i: (i, 0)),
            pl.BlockSpec((1, DIM), lambda i: (0, 0)),
            pl.BlockSpec((1, DIM), lambda i: (0, 0)),
        ],
        out_specs=pl.BlockSpec((blk, DIM), lambda i: (i, 0)),
        out_shape=jax.ShapeDtypeStruct((N_CODES, DIM), jnp.float32),
    )(emb, dwa, dwb, cs2d, cnta, cntb, mean, var)


_ZEROS2D = np.zeros((HALF_CODES, DIM), dtype=np.float32)
_ZEROS1D = np.zeros((HALF_CODES,), dtype=np.float32)
_ONES1D = np.ones((SC_CHUNK,), dtype=np.float32)


@jax.jit
def kernel(x, vq_embedding, vq_cluster_size):
    mean, var = _stats(x)
    emb_bf = vq_embedding.T.astype(jnp.bfloat16)
    half = N_ROWS // 2
    xn0, lo0, hi0 = _assign(x[:half], emb_bf, mean, var)
    dw0, cnt0 = _scatter(xn0, lo0.reshape(half), hi0.reshape(half),
                         _ZEROS2D, _ZEROS1D, _ONES1D)
    xn1, lo1, hi1 = _assign(x[half:], emb_bf, mean, var)
    dw1, cnt1 = _scatter(xn1, lo1.reshape(half), hi1.reshape(half),
                         _ZEROS2D, _ZEROS1D, _ONES1D)
    cs2d = vq_cluster_size.reshape(N_CODES, 1)
    return _finalize(vq_embedding, dw0, dw1, cs2d,
                     cnt0.reshape(N_CODES, 1), cnt1.reshape(N_CODES, 1),
                     mean, var)

# --- scband reference (transcript-rebuilt; emitter-appended) ---
"""Pipeline reference for scband-vq-61400852463739 (READ-ONLY COPY).

The authoritative reference and input builder live on the scoring server;
editing this copy changes nothing except your own understanding.
"""

import jax, jax.numpy as jnp
import numpy as np

NUM_EMBEDDINGS = 8192
EMBEDDING_DIM = 256
DECAY = 0.99
EPS = 1e-5


def setup_inputs(seed: int = 0) -> dict:
    key = jax.random.key(seed)
    k1, k2 = jax.random.split(key)
    x = jax.random.normal(k1, (16384, EMBEDDING_DIM), dtype=jnp.float32)
    # buffers initialized as in torch: rand codebook, ones cluster sizes
    vq_embedding = jax.random.uniform(k2, (NUM_EMBEDDINGS, EMBEDDING_DIM), dtype=jnp.float32)
    vq_cluster_size = jnp.ones((NUM_EMBEDDINGS,), dtype=jnp.float32)
    return {"x": x, "vq_embedding": vq_embedding, "vq_cluster_size": vq_cluster_size}


def reference(x, vq_embedding, vq_cluster_size):
    n = x.shape[0]
    # BatchNorm1d(affine=False, momentum=None) in training mode: normalize with batch stats.
    batch_mean = jnp.mean(x, axis=0)
    batch_var = jnp.var(x, axis=0)  # biased, used for normalization
    inputs_normalized = (x - batch_mean[None, :]) / jnp.sqrt(batch_var[None, :] + EPS)

    emb = vq_embedding
    distances = (jnp.sum(inputs_normalized ** 2, axis=1, keepdims=True)
                 + jnp.sum(emb ** 2, axis=1)[None, :]
                 - 2.0 * jnp.matmul(inputs_normalized, emb.T))
    encoding_indices = jnp.argmin(distances, axis=1)
    encodings = jax.nn.one_hot(encoding_indices, NUM_EMBEDDINGS, dtype=x.dtype)

    dw = jnp.matmul(encodings.T, inputs_normalized)
    new_emb = vq_cluster_size[:, None] * emb * DECAY + (1.0 - DECAY) * dw
    new_cluster = vq_cluster_size * DECAY + (1.0 - DECAY) * jnp.sum(encodings, axis=0)
    new_emb = new_emb / new_cluster[:, None]

    # momentum=None -> cumulative average; first step sets running stats to batch stats
    # (running_var uses the unbiased estimator, matching torch).
    unbiased_var = batch_var * (n / (n - 1))
    running_std = jnp.sqrt(unbiased_var + EPS)[None, :]
    running_mean = batch_mean[None, :]
    vq_embedding_output = new_emb * running_std + running_mean
    return vq_embedding_output

if __name__ == "__main__":
    import jax
    _d = setup_inputs()
    print(jax.jit(kernel)(*tuple(_d.values())))

</pallas_src>

<mosaic_0001>
#map = affine_map<(d0, d1) -> (0, 0)>
#map1 = affine_map<(d0, d1) -> (0)>
module attributes {stable_mosaic.version = 14 : i64} {
  func.func @_scatter_body(%arg0: i32, %arg1: i32, %arg2: memref<8192x256xf32, #tpu.memory_space<hbm>>, %arg3: memref<8192xi32, #tpu.memory_space<hbm>>, %arg4: memref<8192xi32, #tpu.memory_space<hbm>>, %arg5: memref<4096x256xf32, #tpu.memory_space<hbm>>, %arg6: memref<4096xf32, #tpu.memory_space<hbm>>, %arg7: memref<512xf32, #tpu.memory_space<hbm>>, %arg8: memref<8192x256xf32, #tpu.memory_space<hbm>>, %arg9: memref<8192xf32, #tpu.memory_space<hbm>>, %arg10: memref<4104x128xf32, #tpu.memory_space<vmem_shared>>, %arg11: memref<4104xf32, #tpu.memory_space<vmem_shared>>, %arg12: memref<512xi32, #tpu.memory_space<vmem>>, %arg13: memref<512xi32, #tpu.memory_space<vmem>>, %arg14: memref<512x128xf32, #tpu.memory_space<vmem>>, %arg15: memref<512xf32, #tpu.memory_space<vmem>>, %arg16: memref<10x!tpu.dma_semaphore, #tpu.memory_space<semaphore_mem>>) attributes {dimension_semantics = [#tpu.dimension_semantics<core_parallel>, #tpu.dimension_semantics<subcore_parallel>], iteration_bounds = array<i64: 2, 16>, scalar_prefetch = 0 : i64, scratch_operands = 7 : i64, tpu.core_type = #tpu.core_type<sc_vector_subcore>, window_params = [{transform_indices = #map}, {transform_indices = #map1}, {transform_indices = #map1}, {transform_indices = #map}, {transform_indices = #map1}, {transform_indices = #map1}, {transform_indices = #map}, {transform_indices = #map1}]} {
    %mul3A = arith.constant 128 : i32
    %mul3A_0 = arith.muli %arg0, %mul3A : i32
    %mul3A_1 = arith.constant 256 : i32
    %mul3A_2 = arith.muli %arg1, %mul3A_1 : i32
    %mul3A_3 = arith.constant 512 : i32
    %mul3A_4 = arith.muli %arg1, %mul3A_3 : i32
    %dma_start3A = arith.constant 0 : i32
    %dma_start3A_5 = tpu.memref_slice %arg2[%mul3A_4, %mul3A_0] : memref<8192x256xf32, #tpu.memory_space<hbm>> -> memref<512x128xf32, #tpu.memory_space<hbm>>
    %dma_start3A_6 = tpu.memref_slice %arg16[%dma_start3A] : memref<10x!tpu.dma_semaphore, #tpu.memory_space<semaphore_mem>> -> memref<1x!tpu.dma_semaphore, #tpu.memory_space<semaphore_mem>>
    %dma_start3A_7 = tpu.memref_squeeze %dma_start3A_6 : memref<1x!tpu.dma_semaphore, #tpu.memory_space<semaphore_mem>> -> memref<!tpu.dma_semaphore, #tpu.memory_space<semaphore_mem>>
    %dma_start3A_8 = tpu.memref_slice %arg2[%mul3A_4, %mul3A_0] : memref<8192x256xf32, #tpu.memory_space<hbm>> -> memref<512x128xf32, #tpu.memory_space<hbm>>
    tpu.enqueue_dma source(%dma_start3A_8 : memref<512x128xf32, #tpu.memory_space<hbm>>) target(%arg14 : memref<512x128xf32, #tpu.memory_space<vmem>>) target_semaphore(%dma_start3A_7 : memref<!tpu.dma_semaphore, #tpu.memory_space<semaphore_mem>>)
    %dma_start3A_9 = arith.constant 1 : i32
    %dma_start3A_10 = tpu.memref_slice %arg3[%mul3A_4] : memref<8192xi32, #tpu.memory_space<hbm>> -> memref<512xi32, #tpu.memory_space<hbm>>
    %dma_start3A_11 = tpu.memref_slice %arg16[%dma_start3A_9] : memref<10x!tpu.dma_semaphore, #tpu.memory_space<semaphore_mem>> -> memref<1x!tpu.dma_semaphore, #tpu.memory_space<semaphore_mem>>
    %dma_start3A_12 = tpu.memref_squeeze %dma_start3A_11 : memref<1x!tpu.dma_semaphore, #tpu.memory_space<semaphore_mem>> -> memref<!tpu.dma_semaphore, #tpu.memory_space<semaphore_mem>>
    %dma_start3A_13 = tpu.memref_slice %arg3[%mul3A_4] : memref<8192xi32, #tpu.memory_space<hbm>> -> memref<512xi32, #tpu.memory_space<hbm>>
    tpu.enqueue_dma source(%dma_start3A_13 : memref<512xi32, #tpu.memory_space<hbm>>) target(%arg12 : memref<512xi32, #tpu.memory_space<vmem>>) target_semaphore(%dma_start3A_12 : memref<!tpu.dma_semaphore, #tpu.memory_space<semaphore_mem>>)
    %dma_start3A_14 = arith.constant 2 : i32
    %dma_start3A_15 = tpu.memref_slice %arg4[%mul3A_4] : memref<8192xi32, #tpu.memory_space<hbm>> -> memref<512xi32, #tpu.memory_space<hbm>>
    %dma_start3A_16 = tpu.memref_slice %arg16[%dma_start3A_14] : memref<10x!tpu.dma_semaphore, #tpu.memory_space<semaphore_mem>> -> memref<1x!tpu.dma_semaphore, #tpu.memory_space<semaphore_mem>>
    %dma_start3A_17 = tpu.memref_squeeze %dma_start3A_16 : memref<1x!tpu.dma_semaphore, #tpu.memory_space<semaphore_mem>> -> memref<!tpu.dma_semaphore, #tpu.memory_space<semaphore_mem>>
    %dma_start3A_18 = tpu.memref_slice %arg4[%mul3A_4] : memref<8192xi32, #tpu.memory_space<hbm>> -> memref<512xi32, #tpu.memory_space<hbm>>
    tpu.enqueue_dma source(%dma_start3A_18 : memref<512xi32, #tpu.memory_space<hbm>>) target(%arg13 : memref<512xi32, #tpu.memory_space<vmem>>) target_semaphore(%dma_start3A_17 : memref<!tpu.dma_semaphore, #tpu.memory_space<semaphore_mem>>)
    %dma_start3A_19 = arith.constant 3 : i32
    %dma_start3A_20 = tpu.memref_slice %arg16[%dma_start3A_19] : memref<10x!tpu.dma_semaphore, #tpu.memory_space<semaphore_mem>> -> memref<1x!tpu.dma_semaphore, #tpu.memory_space<semaphore_mem>>
    %dma_start3A_21 = tpu.memref_squeeze %dma_start3A_20 : memref<1x!tpu.dma_semaphore, #tpu.memory_space<semaphore_mem>> -> memref<!tpu.dma_semaphore, #tpu.memory_space<semaphore_mem>>
    tpu.enqueue_dma source(%arg7 : memref<512xf32, #tpu.memory_space<hbm>>) target(%arg15 : memref<512xf32, #tpu.memory_space<vmem>>) target_semaphore(%dma_start3A_21 : memref<!tpu.dma_semaphore, #tpu.memory_space<semaphore_mem>>)
    %dma_start3A_22 = arith.constant 4 : i32
    %dma_start3A_23 = tpu.memref_slice %arg16[%dma_start3A_22] : memref<10x!tpu.dma_semaphore, #tpu.memory_space<semaphore_mem>> -> memref<1x!tpu.dma_semaphore, #tpu.memory_space<semaphore_mem>>
    %dma_start3A_24 = tpu.memref_squeeze %dma_start3A_23 : memref<1x!tpu.dma_semaphore, #tpu.memory_space<semaphore_mem>> -> memref<!tpu.dma_semaphore, #tpu.memory_space<semaphore_mem>>
    %dma_start3A_25 = tpu.memref_slice %arg11[%mul3A_2] : memref<4104xf32, #tpu.memory_space<vmem_shared>> -> memref<256xf32, #tpu.memory_space<vmem_shared>>
    %dma_start3A_26 = tpu.memref_slice %arg6[%mul3A_2] : memref<4096xf32, #tpu.memory_space<hbm>> -> memref<256xf32, #tpu.memory_space<hbm>>
    tpu.enqueue_dma source(%dma_start3A_26 : memref<256xf32, #tpu.memory_space<hbm>>) target(%dma_start3A_25 : memref<256xf32, #tpu.memory_space<vmem_shared>>) target_semaphore(%dma_start3A_24 : memref<!tpu.dma_semaphore, #tpu.memory_space<semaphore_mem>>)
    %dma_start3A_27 = arith.constant 5 : i32
    %dma_start3A_28 = tpu.memref_slice %arg16[%dma_start3A_27] : memref<10x!tpu.dma_semaphore, #tpu.memory_space<semaphore_mem>> -> memref<1x!tpu.dma_semaphore, #tpu.memory_space<semaphore_mem>>
    %dma_start3A_29 = tpu.memref_squeeze %dma_start3A_28 : memref<1x!tpu.dma_semaphore, #tpu.memory_space<semaphore_mem>> -> memref<!tpu.dma_semaphore, #tpu.memory_space<semaphore_mem>>
    %dma_start3A_30 = arith.constant 0 : i32
    %dma_start3A_31 = tpu.memref_slice %arg10[%mul3A_2, %dma_start3A_30] : memref<4104x128xf32, #tpu.memory_space<vmem_shared>> -> memref<256x128xf32, #tpu.memory_space<vmem_shared>>
    %dma_start3A_32 = tpu.memref_slice %arg5[%mul3A_2, %mul3A_0] : memref<4096x256xf32, #tpu.memory_space<hbm>> -> memref<256x128xf32, #tpu.memory_space<hbm>>
    tpu.enqueue_dma source(%dma_start3A_32 : memref<256x128xf32, #tpu.memory_space<hbm>>) target(%dma_start3A_31 : memref<256x128xf32, #tpu.memory_space<vmem_shared>>) target_semaphore(%dma_start3A_29 : memref<!tpu.dma_semaphore, #tpu.memory_space<semaphore_mem>>)
    %dma_wait3A = arith.constant 4 : i32
    %dma_wait3A_33 = tpu.memref_slice %arg16[%dma_wait3A] : memref<10x!tpu.dma_semaphore, #tpu.memory_space<semaphore_mem>> -> memref<1x!tpu.dma_semaphore, #tpu.memory_space<semaphore_mem>>
    %dma_wait3A_34 = tpu.memref_squeeze %dma_wait3A_33 : memref<1x!tpu.dma_semaphore, #tpu.memory_space<semaphore_mem>> -> memref<!tpu.dma_semaphore, #tpu.memory_space<semaphore_mem>>
    %dma_wait3A_35 = tpu.memref_slice %arg11[%mul3A_2] : memref<4104xf32, #tpu.memory_space<vmem_shared>> -> memref<256xf32, #tpu.memory_space<vmem_shared>>
    %dma_wait3A_36 = tpu.memref_slice %arg6[%mul3A_2] : memref<4096xf32, #tpu.memory_space<hbm>> -> memref<256xf32, #tpu.memory_space<hbm>>
    tpu.wait_dma2 semaphore(%dma_wait3A_34 : memref<!tpu.dma_semaphore, #tpu.memory_space<semaphore_mem>>) src(%dma_wait3A_36 : memref<256xf32, #tpu.memory_space<hbm>>) dst(%dma_wait3A_35 : memref<256xf32, #tpu.memory_space<vmem_shared>>)
    %dma_wait3A_37 = arith.constant 5 : i32
    %dma_wait3A_38 = tpu.memref_slice %arg16[%dma_wait3A_37] : memref<10x!tpu.dma_semaphore, #tpu.memory_space<semaphore_mem>> -> memref<1x!tpu.dma_semaphore, #tpu.memory_space<semaphore_mem>>
    %dma_wait3A_39 = tpu.memref_squeeze %dma_wait3A_38 : memref<1x!tpu.dma_semaphore, #tpu.memory_space<semaphore_mem>> -> memref<!tpu.dma_semaphore, #tpu.memory_space<semaphore_mem>>
    %dma_wait3A_40 = arith.constant 0 : i32
    %dma_wait3A_41 = tpu.memref_slice %arg10[%mul3A_2, %dma_wait3A_40] : memref<4104x128xf32, #tpu.memory_space<vmem_shared>> -> memref<256x128xf32, #tpu.memory_space<vmem_shared>>
    %dma_wait3A_42 = tpu.memref_slice %arg5[%mul3A_2, %mul3A_0] : memref<4096x256xf32, #tpu.memory_space<hbm>> -> memref<256x128xf32, #tpu.memory_space<hbm>>
    tpu.wait_dma2 semaphore(%dma_wait3A_39 : memref<!tpu.dma_semaphore, #tpu.memory_space<semaphore_mem>>) src(%dma_wait3A_42 : memref<256x128xf32, #tpu.memory_space<hbm>>) dst(%dma_wait3A_41 : memref<256x128xf32, #tpu.memory_space<vmem_shared>>)
    %barrier3A = arith.constant 0 : index
    tpu.barrier barrier_id(%barrier3A)
    %dma_wait3A_43 = arith.constant 0 : i32
    %dma_wait3A_44 = tpu.memref_slice %arg2[%mul3A_4, %mul3A_0] : memref<8192x256xf32, #tpu.memory_space<hbm>> -> memref<512x128xf32, #tpu.memory_space<hbm>>
    %dma_wait3A_45 = tpu.memref_slice %arg16[%dma_wait3A_43] : memref<10x!tpu.dma_semaphore, #tpu.memory_space<semaphore_mem>> -> memref<1x!tpu.dma_semaphore, #tpu.memory_space<semaphore_mem>>
    %dma_wait3A_46 = tpu.memref_squeeze %dma_wait3A_45 : memref<1x!tpu.dma_semaphore, #tpu.memory_space<semaphore_mem>> -> memref<!tpu.dma_semaphore, #tpu.memory_space<semaphore_mem>>
    %dma_wait3A_47 = tpu.memref_slice %arg2[%mul3A_4, %mul3A_0] : memref<8192x256xf32, #tpu.memory_space<hbm>> -> memref<512x128xf32, #tpu.memory_space<hbm>>
    tpu.wait_dma2 semaphore(%dma_wait3A_46 : memref<!tpu.dma_semaphore, #tpu.memory_space<semaphore_mem>>) src(%dma_wait3A_47 : memref<512x128xf32, #tpu.memory_space<hbm>>) dst(%arg14 : memref<512x128xf32, #tpu.memory_space<vmem>>)
    %dma_wait3A_48 = arith.constant 1 : i32
    %dma_wait3A_49 = tpu.memref_slice %arg3[%mul3A_4] : memref<8192xi32, #tpu.memory_space<hbm>> -> memref<512xi32, #tpu.memory_space<hbm>>
    %dma_wait3A_50 = tpu.memref_slice %arg16[%dma_wait3A_48] : memref<10x!tpu.dma_semaphore, #tpu.memory_space<semaphore_mem>> -> memref<1x!tpu.dma_semaphore, #tpu.memory_space<semaphore_mem>>
    %dma_wait3A_51 = tpu.memref_squeeze %dma_wait3A_50 : memref<1x!tpu.dma_semaphore, #tpu.memory_space<semaphore_mem>> -> memref<!tpu.dma_semaphore, #tpu.memory_space<semaphore_mem>>
    %dma_wait3A_52 = tpu.memref_slice %arg3[%mul3A_4] : memref<8192xi32, #tpu.memory_space<hbm>> -> memref<512xi32, #tpu.memory_space<hbm>>
    tpu.wait_dma2 semaphore(%dma_wait3A_51 : memref<!tpu.dma_semaphore, #tpu.memory_space<semaphore_mem>>) src(%dma_wait3A_52 : memref<512xi32, #tpu.memory_space<hbm>>) dst(%arg12 : memref<512xi32, #tpu.memory_space<vmem>>)
    %dma_start3A_53 = arith.constant 6 : i32
    %dma_start3A_54 = arith.constant 0 : i32
    %dma_start3A_55 = arith.constant 0 : i32
    %dma_start3A_56 = tpu.memref_slice %arg10[%dma_start3A_54, %dma_start3A_55] : memref<4104x128xf32, #tpu.memory_space<vmem_shared>> -> memref<4104x128xf32, #tpu.memory_space<vmem_shared>>
    %dma_start3A_57 = tpu.memref_slice %arg16[%dma_start3A_53] : memref<10x!tpu.dma_semaphore, #tpu.memory_space<semaphore_mem>> -> memref<1x!tpu.dma_semaphore, #tpu.memory_space<semaphore_mem>>
    %dma_start3A_58 = tpu.memref_squeeze %dma_start3A_57 : memref<1x!tpu.dma_semaphore, #tpu.memory_space<semaphore_mem>> -> memref<!tpu.dma_semaphore, #tpu.memory_space<semaphore_mem>>
    tpu.enqueue_indirect_dma source(%arg14 : memref<512x128xf32, #tpu.memory_space<vmem>>) target(%dma_start3A_56 : memref<4104x128xf32, #tpu.memory_space<vmem_shared>>) offsets(%arg12 : memref<512xi32, #tpu.memory_space<vmem>>) semaphore(%dma_start3A_58 : memref<!tpu.dma_semaphore, #tpu.memory_space<semaphore_mem>>) {add = true}
    %eq3A = arith.constant 0 : i32
    %eq3A_59 = arith.cmpi eq, %arg0, %eq3A : i32
    %convert_element_type3A = arith.extui %eq3A_59 : i1 to i32
    %cond3A = arith.constant 3 : i32
    %cond3A_60 = arith.constant 0 : i32
    %cond3A_61 = arith.cmpi ne, %convert_element_type3A, %cond3A_60 : i32
    scf.if %cond3A_61 {
      %dma_wait3A_144 = tpu.memref_slice %arg16[%cond3A] : memref<10x!tpu.dma_semaphore, #tpu.memory_space<semaphore_mem>> -> memref<1x!tpu.dma_semaphore, #tpu.memory_space<semaphore_mem>>
      %dma_wait3A_145 = tpu.memref_squeeze %dma_wait3A_144 : memref<1x!tpu.dma_semaphore, #tpu.memory_space<semaphore_mem>> -> memref<!tpu.dma_semaphore, #tpu.memory_space<semaphore_mem>>
      tpu.wait_dma2 semaphore(%dma_wait3A_145 : memref<!tpu.dma_semaphore, #tpu.memory_space<semaphore_mem>>) src(%arg7 : memref<512xf32, #tpu.memory_space<hbm>>) dst(%arg15 : memref<512xf32, #tpu.memory_space<vmem>>)
      %dma_start3A_146 = arith.constant 7 : i32
      %dma_start3A_147 = arith.constant 0 : i32
      %dma_start3A_148 = tpu.memref_slice %arg11[%dma_start3A_147] : memref<4104xf32, #tpu.memory_space<vmem_shared>> -> memref<4104xf32, #tpu.memory_space<vmem_shared>>
      %dma_start3A_149 = tpu.memref_slice %arg16[%dma_start3A_146] : memref<10x!tpu.dma_semaphore, #tpu.memory_space<semaphore_mem>> -> memref<1x!tpu.dma_semaphore, #tpu.memory_space<semaphore_mem>>
      %dma_start3A_150 = tpu.memref_squeeze %dma_start3A_149 : memref<1x!tpu.dma_semaphore, #tpu.memory_space<semaphore_mem>> -> memref<!tpu.dma_semaphore, #tpu.memory_space<semaphore_mem>>
      tpu.enqueue_indirect_dma source(%arg15 : memref<512xf32, #tpu.memory_space<vmem>>) target(%dma_start3A_148 : memref<4104xf32, #tpu.memory_space<vmem_shared>>) offsets(%arg12 : memref<512xi32, #tpu.memory_space<vmem>>) semaphore(%dma_start3A_150 : memref<!tpu.dma_semaphore, #tpu.memory_space<semaphore_mem>>) {add = true}
      %dma_wait3A_151 = arith.constant 7 : i32
      %dma_wait3A_152 = arith.constant 0 : i32
      %dma_wait3A_153 = tpu.memref_slice %arg11[%dma_wait3A_152] : memref<4104xf32, #tpu.memory_space<vmem_shared>> -> memref<4104xf32, #tpu.memory_space<vmem_shared>>
      %dma_wait3A_154 = tpu.memref_slice %arg16[%dma_wait3A_151] : memref<10x!tpu.dma_semaphore, #tpu.memory_space<semaphore_mem>> -> memref<1x!tpu.dma_semaphore, #tpu.memory_space<semaphore_mem>>
      %dma_wait3A_155 = tpu.memref_squeeze %dma_wait3A_154 : memref<1x!tpu.dma_semaphore, #tpu.memory_space<semaphore_mem>> -> memref<!tpu.dma_semaphore, #tpu.memory_space<semaphore_mem>>
      tpu.wait_indirect_dma semaphore(%dma_wait3A_155 : memref<!tpu.dma_semaphore, #tpu.memory_space<semaphore_mem>>) src(%arg15 : memref<512xf32, #tpu.memory_space<vmem>>) dst(%dma_wait3A_153 : memref<4104xf32, #tpu.memory_space<vmem_shared>>)
    } else {
    }
    %dma_wait3A_62 = arith.constant 6 : i32
    %dma_wait3A_63 = arith.constant 0 : i32
    %dma_wait3A_64 = arith.constant 0 : i32
    %dma_wait3A_65 = tpu.memref_slice %arg10[%dma_wait3A_63, %dma_wait3A_64] : memref<4104x128xf32, #tpu.memory_space<vmem_shared>> -> memref<4104x128xf32, #tpu.memory_space<vmem_shared>>
    %dma_wait3A_66 = tpu.memref_slice %arg16[%dma_wait3A_62] : memref<10x!tpu.dma_semaphore, #tpu.memory_space<semaphore_mem>> -> memref<1x!tpu.dma_semaphore, #tpu.memory_space<semaphore_mem>>
    %dma_wait3A_67 = tpu.memref_squeeze %dma_wait3A_66 : memref<1x!tpu.dma_semaphore, #tpu.memory_space<semaphore_mem>> -> memref<!tpu.dma_semaphore, #tpu.memory_space<semaphore_mem>>
    tpu.wait_indirect_dma semaphore(%dma_wait3A_67 : memref<!tpu.dma_semaphore, #tpu.memory_space<semaphore_mem>>) src(%arg14 : memref<512x128xf32, #tpu.memory_space<vmem>>) dst(%dma_wait3A_65 : memref<4104x128xf32, #tpu.memory_space<vmem_shared>>)
    %barrier3A_68 = arith.constant 0 : index
    tpu.barrier barrier_id(%barrier3A_68)
    %add3A = arith.constant 0 : i32
    %add3A_69 = arith.addi %add3A, %mul3A_2 : i32
    %dma_start3A_70 = arith.constant 8 : i32
    %dma_start3A_71 = tpu.memref_slice %arg16[%dma_start3A_70] : memref<10x!tpu.dma_semaphore, #tpu.memory_space<semaphore_mem>> -> memref<1x!tpu.dma_semaphore, #tpu.memory_space<semaphore_mem>>
    %dma_start3A_72 = tpu.memref_squeeze %dma_start3A_71 : memref<1x!tpu.dma_semaphore, #tpu.memory_space<semaphore_mem>> -> memref<!tpu.dma_semaphore, #tpu.memory_space<semaphore_mem>>
    %dma_start3A_73 = tpu.memref_slice %arg8[%add3A_69, %mul3A_0] : memref<8192x256xf32, #tpu.memory_space<hbm>> -> memref<256x128xf32, #tpu.memory_space<hbm>>
    %dma_start3A_74 = arith.constant 0 : i32
    %dma_start3A_75 = tpu.memref_slice %arg10[%mul3A_2, %dma_start3A_74] : memref<4104x128xf32, #tpu.memory_space<vmem_shared>> -> memref<256x128xf32, #tpu.memory_space<vmem_shared>>
    tpu.enqueue_dma source(%dma_start3A_75 : memref<256x128xf32, #tpu.memory_space<vmem_shared>>) target(%dma_start3A_73 : memref<256x128xf32, #tpu.memory_space<hbm>>) target_semaphore(%dma_start3A_72 : memref<!tpu.dma_semaphore, #tpu.memory_space<semaphore_mem>>)
    %eq3A_76 = arith.constant 0 : i32
    %eq3A_77 = arith.cmpi eq, %arg0, %eq3A_76 : i32
    %convert_element_type3A_78 = arith.extui %eq3A_77 : i1 to i32
    %cond3A_79 = arith.constant 0 : i32
    %cond3A_80 = arith.cmpi ne, %convert_element_type3A_78, %cond3A_79 : i32
    scf.if %cond3A_80 {
      %add3A_144 = arith.constant 0 : i32
      %add3A_145 = arith.addi %add3A_144, %mul3A_2 : i32
      %dma_start3A_146 = arith.constant 9 : i32
      %dma_start3A_147 = tpu.memref_slice %arg16[%dma_start3A_146] : memref<10x!tpu.dma_semaphore, #tpu.memory_space<semaphore_mem>> -> memref<1x!tpu.dma_semaphore, #tpu.memory_space<semaphore_mem>>
      %dma_start3A_148 = tpu.memref_squeeze %dma_start3A_147 : memref<1x!tpu.dma_semaphore, #tpu.memory_space<semaphore_mem>> -> memref<!tpu.dma_semaphore, #tpu.memory_space<semaphore_mem>>
      %dma_start3A_149 = tpu.memref_slice %arg9[%add3A_145] : memref<8192xf32, #tpu.memory_space<hbm>> -> memref<256xf32, #tpu.memory_space<hbm>>
      %dma_start3A_150 = tpu.memref_slice %arg11[%mul3A_2] : memref<4104xf32, #tpu.memory_space<vmem_shared>> -> memref<256xf32, #tpu.memory_space<vmem_shared>>
      tpu.enqueue_dma source(%dma_start3A_150 : memref<256xf32, #tpu.memory_space<vmem_shared>>) target(%dma_start3A_149 : memref<256xf32, #tpu.memory_space<hbm>>) target_semaphore(%dma_start3A_148 : memref<!tpu.dma_semaphore, #tpu.memory_space<semaphore_mem>>)
      %dma_wait3A_151 = arith.constant 9 : i32
      %dma_wait3A_152 = tpu.memref_slice %arg16[%dma_wait3A_151] : memref<10x!tpu.dma_semaphore, #tpu.memory_space<semaphore_mem>> -> memref<1x!tpu.dma_semaphore, #tpu.memory_space<semaphore_mem>>
      %dma_wait3A_153 = tpu.memref_squeeze %dma_wait3A_152 : memref<1x!tpu.dma_semaphore, #tpu.memory_space<semaphore_mem>> -> memref<!tpu.dma_semaphore, #tpu.memory_space<semaphore_mem>>
      %dma_wait3A_154 = tpu.memref_slice %arg9[%add3A_145] : memref<8192xf32, #tpu.memory_space<hbm>> -> memref<256xf32, #tpu.memory_space<hbm>>
      %dma_wait3A_155 = tpu.memref_slice %arg11[%mul3A_2] : memref<4104xf32, #tpu.memory_space<vmem_shared>> -> memref<256xf32, #tpu.memory_space<vmem_shared>>
      tpu.wait_dma2 semaphore(%dma_wait3A_153 : memref<!tpu.dma_semaphore, #tpu.memory_space<semaphore_mem>>) src(%dma_wait3A_155 : memref<256xf32, #tpu.memory_space<vmem_shared>>) dst(%dma_wait3A_154 : memref<256xf32, #tpu.memory_space<hbm>>)
    } else {
    }
    %dma_wait3A_81 = arith.constant 8 : i32
    %dma_wait3A_82 = tpu.memref_slice %arg16[%dma_wait3A_81] : memref<10x!tpu.dma_semaphore, #tpu.memory_space<semaphore_mem>> -> memref<1x!tpu.dma_semaphore, #tpu.memory_space<semaphore_mem>>
    %dma_wait3A_83 = tpu.memref_squeeze %dma_wait3A_82 : memref<1x!tpu.dma_semaphore, #tpu.memory_space<semaphore_mem>> -> memref<!tpu.dma_semaphore, #tpu.memory_space<semaphore_mem>>
    %dma_wait3A_84 = tpu.memref_slice %arg8[%add3A_69, %mul3A_0] : memref<8192x256xf32, #tpu.memory_space<hbm>> -> memref<256x128xf32, #tpu.memory_space<hbm>>
    %dma_wait3A_85 = arith.constant 0 : i32
    %dma_wait3A_86 = tpu.memref_slice %arg10[%mul3A_2, %dma_wait3A_85] : memref<4104x128xf32, #tpu.memory_space<vmem_shared>> -> memref<256x128xf32, #tpu.memory_space<vmem_shared>>
    tpu.wait_dma2 semaphore(%dma_wait3A_83 : memref<!tpu.dma_semaphore, #tpu.memory_space<semaphore_mem>>) src(%dma_wait3A_86 : memref<256x128xf32, #tpu.memory_space<vmem_shared>>) dst(%dma_wait3A_84 : memref<256x128xf32, #tpu.memory_space<hbm>>)
    %barrier3A_87 = arith.constant 0 : index
    tpu.barrier barrier_id(%barrier3A_87)
    %dma_start3A_88 = arith.constant 5 : i32
    %dma_start3A_89 = tpu.memref_slice %arg16[%dma_start3A_88] : memref<10x!tpu.dma_semaphore, #tpu.memory_space<semaphore_mem>> -> memref<1x!tpu.dma_semaphore, #tpu.memory_space<semaphore_mem>>
    %dma_start3A_90 = tpu.memref_squeeze %dma_start3A_89 : memref<1x!tpu.dma_semaphore, #tpu.memory_space<semaphore_mem>> -> memref<!tpu.dma_semaphore, #tpu.memory_space<semaphore_mem>>
    %dma_start3A_91 = arith.constant 0 : i32
    %dma_start3A_92 = tpu.memref_slice %arg10[%mul3A_2, %dma_start3A_91] : memref<4104x128xf32, #tpu.memory_space<vmem_shared>> -> memref<256x128xf32, #tpu.memory_space<vmem_shared>>
    %dma_start3A_93 = tpu.memref_slice %arg5[%mul3A_2, %mul3A_0] : memref<4096x256xf32, #tpu.memory_space<hbm>> -> memref<256x128xf32, #tpu.memory_space<hbm>>
    tpu.enqueue_dma source(%dma_start3A_93 : memref<256x128xf32, #tpu.memory_space<hbm>>) target(%dma_start3A_92 : memref<256x128xf32, #tpu.memory_space<vmem_shared>>) target_semaphore(%dma_start3A_90 : memref<!tpu.dma_semaphore, #tpu.memory_space<semaphore_mem>>)
    %dma_wait3A_94 = arith.constant 5 : i32
    %dma_wait3A_95 = tpu.memref_slice %arg16[%dma_wait3A_94] : memref<10x!tpu.dma_semaphore, #tpu.memory_space<semaphore_mem>> -> memref<1x!tpu.dma_semaphore, #tpu.memory_space<semaphore_mem>>
    %dma_wait3A_96 = tpu.memref_squeeze %dma_wait3A_95 : memref<1x!tpu.dma_semaphore, #tpu.memory_space<semaphore_mem>> -> memref<!tpu.dma_semaphore, #tpu.memory_space<semaphore_mem>>
    %dma_wait3A_97 = arith.constant 0 : i32
    %dma_wait3A_98 = tpu.memref_slice %arg10[%mul3A_2, %dma_wait3A_97] : memref<4104x128xf32, #tpu.memory_space<vmem_shared>> -> memref<256x128xf32, #tpu.memory_space<vmem_shared>>
    %dma_wait3A_99 = tpu.memref_slice %arg5[%mul3A_2, %mul3A_0] : memref<4096x256xf32, #tpu.memory_space<hbm>> -> memref<256x128xf32, #tpu.memory_space<hbm>>
    tpu.wait_dma2 semaphore(%dma_wait3A_96 : memref<!tpu.dma_semaphore, #tpu.memory_space<semaphore_mem>>) src(%dma_wait3A_99 : memref<256x128xf32, #tpu.memory_space<hbm>>) dst(%dma_wait3A_98 : memref<256x128xf32, #tpu.memory_space<vmem_shared>>)
    %barrier3A_100 = arith.constant 0 : index
    tpu.barrier barrier_id(%barrier3A_100)
    %dma_wait3A_101 = arith.constant 2 : i32
    %dma_wait3A_102 = tpu.memref_slice %arg4[%mul3A_4] : memref<8192xi32, #tpu.memory_space<hbm>> -> memref<512xi32, #tpu.memory_space<hbm>>
    %dma_wait3A_103 = tpu.memref_slice %arg16[%dma_wait3A_101] : memref<10x!tpu.dma_semaphore, #tpu.memory_space<semaphore_mem>> -> memref<1x!tpu.dma_semaphore, #tpu.memory_space<semaphore_mem>>
    %dma_wait3A_104 = tpu.memref_squeeze %dma_wait3A_103 : memref<1x!tpu.dma_semaphore, #tpu.memory_space<semaphore_mem>> -> memref<!tpu.dma_semaphore, #tpu.memory_space<semaphore_mem>>
    %dma_wait3A_105 = tpu.memref_slice %arg4[%mul3A_4] : memref<8192xi32, #tpu.memory_space<hbm>> -> memref<512xi32, #tpu.memory_space<hbm>>
    tpu.wait_dma2 semaphore(%dma_wait3A_104 : memref<!tpu.dma_semaphore, #tpu.memory_space<semaphore_mem>>) src(%dma_wait3A_105 : memref<512xi32, #tpu.memory_space<hbm>>) dst(%arg13 : memref<512xi32, #tpu.memory_space<vmem>>)
    %dma_start3A_106 = arith.constant 6 : i32
    %dma_start3A_107 = arith.constant 0 : i32
    %dma_start3A_108 = arith.constant 0 : i32
    %dma_start3A_109 = tpu.memref_slice %arg10[%dma_start3A_107, %dma_start3A_108] : memref<4104x128xf32, #tpu.memory_space<vmem_shared>> -> memref<4104x128xf32, #tpu.memory_space<vmem_shared>>
    %dma_start3A_110 = tpu.memref_slice %arg16[%dma_start3A_106] : memref<10x!tpu.dma_semaphore, #tpu.memory_space<semaphore_mem>> -> memref<1x!tpu.dma_semaphore, #tpu.memory_space<semaphore_mem>>
    %dma_start3A_111 = tpu.memref_squeeze %dma_start3A_110 : memref<1x!tpu.dma_semaphore, #tpu.memory_space<semaphore_mem>> -> memref<!tpu.dma_semaphore, #tpu.memory_space<semaphore_mem>>
    tpu.enqueue_indirect_dma source(%arg14 : memref<512x128xf32, #tpu.memory_space<vmem>>) target(%dma_start3A_109 : memref<4104x128xf32, #tpu.memory_space<vmem_shared>>) offsets(%arg13 : memref<512xi32, #tpu.memory_space<vmem>>) semaphore(%dma_start3A_111 : memref<!tpu.dma_semaphore, #tpu.memory_space<semaphore_mem>>) {add = true}
    %eq3A_112 = arith.constant 1 : i32
    %eq3A_113 = arith.cmpi eq, %arg0, %eq3A_112 : i32
    %convert_element_type3A_114 = arith.extui %eq3A_113 : i1 to i32
    %cond3A_115 = arith.constant 0 : i32
    %cond3A_116 = arith.cmpi ne, %convert_element_type3A_114, %cond3A_115 : i32
    scf.if %cond3A_116 {
      %dma_start3A_144 = arith.constant 7 : i32
      %dma_start3A_145 = arith.constant 0 : i32
      %dma_start3A_146 = tpu.memref_slice %arg11[%dma_start3A_145] : memref<4104xf32, #tpu.memory_space<vmem_shared>> -> memref<4104xf32, #tpu.memory_space<vmem_shared>>
      %dma_start3A_147 = tpu.memref_slice %arg16[%dma_start3A_144] : memref<10x!tpu.dma_semaphore, #tpu.memory_space<semaphore_mem>> -> memref<1x!tpu.dma_semaphore, #tpu.memory_space<semaphore_mem>>
      %dma_start3A_148 = tpu.memref_squeeze %dma_start3A_147 : memref<1x!tpu.dma_semaphore, #tpu.memory_space<semaphore_mem>> -> memref<!tpu.dma_semaphore, #tpu.memory_space<semaphore_mem>>
      tpu.enqueue_indirect_dma source(%arg15 : memref<512xf32, #tpu.memory_space<vmem>>) target(%dma_start3A_146 : memref<4104xf32, #tpu.memory_space<vmem_shared>>) offsets(%arg13 : memref<512xi32, #tpu.memory_space<vmem>>) semaphore(%dma_start3A_148 : memref<!tpu.dma_semaphore, #tpu.memory_space<semaphore_mem>>) {add = true}
      %dma_wait3A_149 = arith.constant 7 : i32
      %dma_wait3A_150 = arith.constant 0 : i32
      %dma_wait3A_151 = tpu.memref_slice %arg11[%dma_wait3A_150] : memref<4104xf32, #tpu.memory_space<vmem_shared>> -> memref<4104xf32, #tpu.memory_space<vmem_shared>>
      %dma_wait3A_152 = tpu.memref_slice %arg16[%dma_wait3A_149] : memref<10x!tpu.dma_semaphore, #tpu.memory_space<semaphore_mem>> -> memref<1x!tpu.dma_semaphore, #tpu.memory_space<semaphore_mem>>
      %dma_wait3A_153 = tpu.memref_squeeze %dma_wait3A_152 : memref<1x!tpu.dma_semaphore, #tpu.memory_space<semaphore_mem>> -> memref<!tpu.dma_semaphore, #tpu.memory_space<semaphore_mem>>
      tpu.wait_indirect_dma semaphore(%dma_wait3A_153 : memref<!tpu.dma_semaphore, #tpu.memory_space<semaphore_mem>>) src(%arg15 : memref<512xf32, #tpu.memory_space<vmem>>) dst(%dma_wait3A_151 : memref<4104xf32, #tpu.memory_space<vmem_shared>>)
    } else {
    }
    %dma_wait3A_117 = arith.constant 6 : i32
    %dma_wait3A_118 = arith.constant 0 : i32
    %dma_wait3A_119 = arith.constant 0 : i32
    %dma_wait3A_120 = tpu.memref_slice %arg10[%dma_wait3A_118, %dma_wait3A_119] : memref<4104x128xf32, #tpu.memory_space<vmem_shared>> -> memref<4104x128xf32, #tpu.memory_space<vmem_shared>>
    %dma_wait3A_121 = tpu.memref_slice %arg16[%dma_wait3A_117] : memref<10x!tpu.dma_semaphore, #tpu.memory_space<semaphore_mem>> -> memref<1x!tpu.dma_semaphore, #tpu.memory_space<semaphore_mem>>
    %dma_wait3A_122 = tpu.memref_squeeze %dma_wait3A_121 : memref<1x!tpu.dma_semaphore, #tpu.memory_space<semaphore_mem>> -> memref<!tpu.dma_semaphore, #tpu.memory_space<semaphore_mem>>
    tpu.wait_indirect_dma semaphore(%dma_wait3A_122 : memref<!tpu.dma_semaphore, #tpu.memory_space<semaphore_mem>>) src(%arg14 : memref<512x128xf32, #tpu.memory_space<vmem>>) dst(%dma_wait3A_120 : memref<4104x128xf32, #tpu.memory_space<vmem_shared>>)
    %barrier3A_123 = arith.constant 0 : index
    tpu.barrier barrier_id(%barrier3A_123)
    %add3A_124 = arith.constant 4096 : i32
    %add3A_125 = arith.addi %add3A_124, %mul3A_2 : i32
    %dma_start3A_126 = arith.constant 8 : i32
    %dma_start3A_127 = tpu.memref_slice %arg16[%dma_start3A_126] : memref<10x!tpu.dma_semaphore, #tpu.memory_space<semaphore_mem>> -> memref<1x!tpu.dma_semaphore, #tpu.memory_space<semaphore_mem>>
    %dma_start3A_128 = tpu.memref_squeeze %dma_start3A_127 : memref<1x!tpu.dma_semaphore, #tpu.memory_space<semaphore_mem>> -> memref<!tpu.dma_semaphore, #tpu.memory_space<semaphore_mem>>
    %dma_start3A_129 = tpu.memref_slice %arg8[%add3A_125, %mul3A_0] : memref<8192x256xf32, #tpu.memory_space<hbm>> -> memref<256x128xf32, #tpu.memory_space<hbm>>
    %dma_start3A_130 = arith.constant 0 : i32
    %dma_start3A_131 = tpu.memref_slice %arg10[%mul3A_2, %dma_start3A_130] : memref<4104x128xf32, #tpu.memory_space<vmem_shared>> -> memref<256x128xf32, #tpu.memory_space<vmem_shared>>
    tpu.enqueue_dma source(%dma_start3A_131 : memref<256x128xf32, #tpu.memory_space<vmem_shared>>) target(%dma_start3A_129 : memref<256x128xf32, #tpu.memory_space<hbm>>) target_semaphore(%dma_start3A_128 : memref<!tpu.dma_semaphore, #tpu.memory_space<semaphore_mem>>)
    %eq3A_132 = arith.constant 1 : i32
    %eq3A_133 = arith.cmpi eq, %arg0, %eq3A_132 : i32
    %convert_element_type3A_134 = arith.extui %eq3A_133 : i1 to i32
    %cond3A_135 = arith.constant 0 : i32
    %cond3A_136 = arith.cmpi ne, %convert_element_type3A_134, %cond3A_135 : i32
    scf.if %cond3A_136 {
      %add3A_144 = arith.constant 4096 : i32
      %add3A_145 = arith.addi %add3A_144, %mul3A_2 : i32
      %dma_start3A_146 = arith.constant 9 : i32
      %dma_start3A_147 = tpu.memref_slice %arg16[%dma_start3A_146] : memref<10x!tpu.dma_semaphore, #tpu.memory_space<semaphore_mem>> -> memref<1x!tpu.dma_semaphore, #tpu.memory_space<semaphore_mem>>
      %dma_start3A_148 = tpu.memref_squeeze %dma_start3A_147 : memref<1x!tpu.dma_semaphore, #tpu.memory_space<semaphore_mem>> -> memref<!tpu.dma_semaphore, #tpu.memory_space<semaphore_mem>>
      %dma_start3A_149 = tpu.memref_slice %arg9[%add3A_145] : memref<8192xf32, #tpu.memory_space<hbm>> -> memref<256xf32, #tpu.memory_space<hbm>>
      %dma_start3A_150 = tpu.memref_slice %arg11[%mul3A_2] : memref<4104xf32, #tpu.memory_space<vmem_shared>> -> memref<256xf32, #tpu.memory_space<vmem_shared>>
      tpu.enqueue_dma source(%dma_start3A_150 : memref<256xf32, #tpu.memory_space<vmem_shared>>) target(%dma_start3A_149 : memref<256xf32, #tpu.memory_space<hbm>>) target_semaphore(%dma_start3A_148 : memref<!tpu.dma_semaphore, #tpu.memory_space<semaphore_mem>>)
      %dma_wait3A_151 = arith.constant 9 : i32
      %dma_wait3A_152 = tpu.memref_slice %arg16[%dma_wait3A_151] : memref<10x!tpu.dma_semaphore, #tpu.memory_space<semaphore_mem>> -> memref<1x!tpu.dma_semaphore, #tpu.memory_space<semaphore_mem>>
      %dma_wait3A_153 = tpu.memref_squeeze %dma_wait3A_152 : memref<1x!tpu.dma_semaphore, #tpu.memory_space<semaphore_mem>> -> memref<!tpu.dma_semaphore, #tpu.memory_space<semaphore_mem>>
      %dma_wait3A_154 = tpu.memref_slice %arg9[%add3A_145] : memref<8192xf32, #tpu.memory_space<hbm>> -> memref<256xf32, #tpu.memory_space<hbm>>
      %dma_wait3A_155 = tpu.memref_slice %arg11[%mul3A_2] : memref<4104xf32, #tpu.memory_space<vmem_shared>> -> memref<256xf32, #tpu.memory_space<vmem_shared>>
      tpu.wait_dma2 semaphore(%dma_wait3A_153 : memref<!tpu.dma_semaphore, #tpu.memory_space<semaphore_mem>>) src(%dma_wait3A_155 : memref<256xf32, #tpu.memory_space<vmem_shared>>) dst(%dma_wait3A_154 : memref<256xf32, #tpu.memory_space<hbm>>)
    } else {
    }
    %dma_wait3A_137 = arith.constant 8 : i32
    %dma_wait3A_138 = tpu.memref_slice %arg16[%dma_wait3A_137] : memref<10x!tpu.dma_semaphore, #tpu.memory_space<semaphore_mem>> -> memref<1x!tpu.dma_semaphore, #tpu.memory_space<semaphore_mem>>
    %dma_wait3A_139 = tpu.memref_squeeze %dma_wait3A_138 : memref<1x!tpu.dma_semaphore, #tpu.memory_space<semaphore_mem>> -> memref<!tpu.dma_semaphore, #tpu.memory_space<semaphore_mem>>
    %dma_wait3A_140 = tpu.memref_slice %arg8[%add3A_125, %mul3A_0] : memref<8192x256xf32, #tpu.memory_space<hbm>> -> memref<256x128xf32, #tpu.memory_space<hbm>>
    %dma_wait3A_141 = arith.constant 0 : i32
    %dma_wait3A_142 = tpu.memref_slice %arg10[%mul3A_2, %dma_wait3A_141] : memref<4104x128xf32, #tpu.memory_space<vmem_shared>> -> memref<256x128xf32, #tpu.memory_space<vmem_shared>>
    tpu.wait_dma2 semaphore(%dma_wait3A_139 : memref<!tpu.dma_semaphore, #tpu.memory_space<semaphore_mem>>) src(%dma_wait3A_142 : memref<256x128xf32, #tpu.memory_space<vmem_shared>>) dst(%dma_wait3A_140 : memref<256x128xf32, #tpu.memory_space<hbm>>)
    %barrier3A_143 = arith.constant 0 : index
    tpu.barrier barrier_id(%barrier3A_143)
    return
  }
}

#map = affine_map<(d0, d1) -> (0, 0)>
#map1 = affine_map<(d0, d1) -> (0)>
module attributes {stable_mosaic.version = 14 : i64} {
  func.func @_scatter_body(%arg0: i32, %arg1: i32, %arg2: memref<8192x256xf32, #tpu.memory_space<hbm>>, %arg3: memref<8192xi32, #tpu.memory_space<hbm>>, %arg4: memref<8192xi32, #tpu.memory_space<hbm>>, %arg5: memref<4096x256xf32, #tpu.memory_space<hbm>>, %arg6: memref<4096xf32, #tpu.memory_space<hbm>>, %arg7: memref<512xf32, #tpu.memory_space<hbm>>, %arg8: memref<8192x256xf32, #tpu.memory_space<hbm>>, %arg9: memref<8192xf32, #tpu.memory_space<hbm>>, %arg10: memref<4104x128xf32, #tpu.memory_space<vmem_shared>>, %arg11: memref<4104xf32, #tpu.memory_space<vmem_shared>>, %arg12: memref<512xi32, #tpu.memory_space<vmem>>, %arg13: memref<512xi32, #tpu.memory_space<vmem>>, %arg14: memref<512x128xf32, #tpu.memory_space<vmem>>, %arg15: memref<512xf32, #tpu.memory_space<vmem>>, %arg16: memref<10x!tpu.dma_semaphore, #tpu.memory_space<semaphore_mem>>) attributes {dimension_semantics = [#tpu.dimension_semantics<core_parallel>, #tpu.dimension_semantics<subcore_parallel>], iteration_bounds = array<i64: 2, 16>, scalar_prefetch = 0 : i64, scratch_operands = 7 : i64, tpu.core_type = #tpu.core_type<sc_vector_subcore>, window_params = [{transform_indices = #map}, {transform_indices = #map1}, {transform_indices = #map1}, {transform_indices = #map}, {transform_indices = #map1}, {transform_indices = #map1}, {transform_indices = #map}, {transform_indices = #map1}]} {
    %mul3A = arith.constant 128 : i32
    %mul3A_0 = arith.muli %arg0, %mul3A : i32
    %mul3A_1 = arith.constant 256 : i32
    %mul3A_2 = arith.muli %arg1, %mul3A_1 : i32
    %mul3A_3 = arith.constant 512 : i32
    %mul3A_4 = arith.muli %arg1, %mul3A_3 : i32
    %dma_start3A = arith.constant 0 : i32
    %dma_start3A_5 = tpu.memref_slice %arg2[%mul3A_4, %mul3A_0] : memref<8192x256xf32, #tpu.memory_space<hbm>> -> memref<512x128xf32, #tpu.memory_space<hbm>>
    %dma_start3A_6 = tpu.memref_slice %arg16[%dma_start3A] : memref<10x!tpu.dma_semaphore, #tpu.memory_space<semaphore_mem>> -> memref<1x!tpu.dma_semaphore, #tpu.memory_space<semaphore_mem>>
    %dma_start3A_7 = tpu.memref_squeeze %dma_start3A_6 : memref<1x!tpu.dma_semaphore, #tpu.memory_space<semaphore_mem>> -> memref<!tpu.dma_semaphore, #tpu.memory_space<semaphore_mem>>
    %dma_start3A_8 = tpu.memref_slice %arg2[%mul3A_4, %mul3A_0] : memref<8192x256xf32, #tpu.memory_space<hbm>> -> memref<512x128xf32, #tpu.memory_space<hbm>>
    tpu.enqueue_dma source(%dma_start3A_8 : memref<512x128xf32, #tpu.memory_space<hbm>>) target(%arg14 : memref<512x128xf32, #tpu.memory_space<vmem>>) target_semaphore(%dma_start3A_7 : memref<!tpu.dma_semaphore, #tpu.memory_space<semaphore_mem>>)
    %dma_start3A_9 = arith.constant 1 : i32
    %dma_start3A_10 = tpu.memref_slice %arg3[%mul3A_4] : memref<8192xi32, #tpu.memory_space<hbm>> -> memref<512xi32, #tpu.memory_space<hbm>>
    %dma_start3A_11 = tpu.memref_slice %arg16[%dma_start3A_9] : memref<10x!tpu.dma_semaphore, #tpu.memory_space<semaphore_mem>> -> memref<1x!tpu.dma_semaphore, #tpu.memory_space<semaphore_mem>>
    %dma_start3A_12 = tpu.memref_squeeze %dma_start3A_11 : memref<1x!tpu.dma_semaphore, #tpu.memory_space<semaphore_mem>> -> memref<!tpu.dma_semaphore, #tpu.memory_space<semaphore_mem>>
    %dma_start3A_13 = tpu.memref_slice %arg3[%mul3A_4] : memref<8192xi32, #tpu.memory_space<hbm>> -> memref<512xi32, #tpu.memory_space<hbm>>
    tpu.enqueue_dma source(%dma_start3A_13 : memref<512xi32, #tpu.memory_space<hbm>>) target(%arg12 : memref<512xi32, #tpu.memory_space<vmem>>) target_semaphore(%dma_start3A_12 : memref<!tpu.dma_semaphore, #tpu.memory_space<semaphore_mem>>)
    %dma_start3A_14 = arith.constant 2 : i32
    %dma_start3A_15 = tpu.memref_slice %arg4[%mul3A_4] : memref<8192xi32, #tpu.memory_space<hbm>> -> memref<512xi32, #tpu.memory_space<hbm>>
    %dma_start3A_16 = tpu.memref_slice %arg16[%dma_start3A_14] : memref<10x!tpu.dma_semaphore, #tpu.memory_space<semaphore_mem>> -> memref<1x!tpu.dma_semaphore, #tpu.memory_space<semaphore_mem>>
    %dma_start3A_17 = tpu.memref_squeeze %dma_start3A_16 : memref<1x!tpu.dma_semaphore, #tpu.memory_space<semaphore_mem>> -> memref<!tpu.dma_semaphore, #tpu.memory_space<semaphore_mem>>
    %dma_start3A_18 = tpu.memref_slice %arg4[%mul3A_4] : memref<8192xi32, #tpu.memory_space<hbm>> -> memref<512xi32, #tpu.memory_space<hbm>>
    tpu.enqueue_dma source(%dma_start3A_18 : memref<512xi32, #tpu.memory_space<hbm>>) target(%arg13 : memref<512xi32, #tpu.memory_space<vmem>>) target_semaphore(%dma_start3A_17 : memref<!tpu.dma_semaphore, #tpu.memory_space<semaphore_mem>>)
    %dma_start3A_19 = arith.constant 3 : i32
    %dma_start3A_20 = tpu.memref_slice %arg16[%dma_start3A_19] : memref<10x!tpu.dma_semaphore, #tpu.memory_space<semaphore_mem>> -> memref<1x!tpu.dma_semaphore, #tpu.memory_space<semaphore_mem>>
    %dma_start3A_21 = tpu.memref_squeeze %dma_start3A_20 : memref<1x!tpu.dma_semaphore, #tpu.memory_space<semaphore_mem>> -> memref<!tpu.dma_semaphore, #tpu.memory_space<semaphore_mem>>
    tpu.enqueue_dma source(%arg7 : memref<512xf32, #tpu.memory_space<hbm>>) target(%arg15 : memref<512xf32, #tpu.memory_space<vmem>>) target_semaphore(%dma_start3A_21 : memref<!tpu.dma_semaphore, #tpu.memory_space<semaphore_mem>>)
    %dma_start3A_22 = arith.constant 4 : i32
    %dma_start3A_23 = tpu.memref_slice %arg16[%dma_start3A_22] : memref<10x!tpu.dma_semaphore, #tpu.memory_space<semaphore_mem>> -> memref<1x!tpu.dma_semaphore, #tpu.memory_space<semaphore_mem>>
    %dma_start3A_24 = tpu.memref_squeeze %dma_start3A_23 : memref<1x!tpu.dma_semaphore, #tpu.memory_space<semaphore_mem>> -> memref<!tpu.dma_semaphore, #tpu.memory_space<semaphore_mem>>
    %dma_start3A_25 = tpu.memref_slice %arg11[%mul3A_2] : memref<4104xf32, #tpu.memory_space<vmem_shared>> -> memref<256xf32, #tpu.memory_space<vmem_shared>>
    %dma_start3A_26 = tpu.memref_slice %arg6[%mul3A_2] : memref<4096xf32, #tpu.memory_space<hbm>> -> memref<256xf32, #tpu.memory_space<hbm>>
    tpu.enqueue_dma source(%dma_start3A_26 : memref<256xf32, #tpu.memory_space<hbm>>) target(%dma_start3A_25 : memref<256xf32, #tpu.memory_space<vmem_shared>>) target_semaphore(%dma_start3A_24 : memref<!tpu.dma_semaphore, #tpu.memory_space<semaphore_mem>>)
    %dma_start3A_27 = arith.constant 5 : i32
    %dma_start3A_28 = tpu.memref_slice %arg16[%dma_start3A_27] : memref<10x!tpu.dma_semaphore, #tpu.memory_space<semaphore_mem>> -> memref<1x!tpu.dma_semaphore, #tpu.memory_space<semaphore_mem>>
    %dma_start3A_29 = tpu.memref_squeeze %dma_start3A_28 : memref<1x!tpu.dma_semaphore, #tpu.memory_space<semaphore_mem>> -> memref<!tpu.dma_semaphore, #tpu.memory_space<semaphore_mem>>
    %dma_start3A_30 = arith.constant 0 : i32
    %dma_start3A_31 = tpu.memref_slice %arg10[%mul3A_2, %dma_start3A_30] : memref<4104x128xf32, #tpu.memory_space<vmem_shared>> -> memref<256x128xf32, #tpu.memory_space<vmem_shared>>
    %dma_start3A_32 = tpu.memref_slice %arg5[%mul3A_2, %mul3A_0] : memref<4096x256xf32, #tpu.memory_space<hbm>> -> memref<256x128xf32, #tpu.memory_space<hbm>>
    tpu.enqueue_dma source(%dma_start3A_32 : memref<256x128xf32, #tpu.memory_space<hbm>>) target(%dma_start3A_31 : memref<256x128xf32, #tpu.memory_space<vmem_shared>>) target_semaphore(%dma_start3A_29 : memref<!tpu.dma_semaphore, #tpu.memory_space<semaphore_mem>>)
    %dma_wait3A = arith.constant 4 : i32
    %dma_wait3A_33 = tpu.memref_slice %arg16[%dma_wait3A] : memref<10x!tpu.dma_semaphore, #tpu.memory_space<semaphore_mem>> -> memref<1x!tpu.dma_semaphore, #tpu.memory_space<semaphore_mem>>
    %dma_wait3A_34 = tpu.memref_squeeze %dma_wait3A_33 : memref<1x!tpu.dma_semaphore, #tpu.memory_space<semaphore_mem>> -> memref<!tpu.dma_semaphore, #tpu.memory_space<semaphore_mem>>
    %dma_wait3A_35 = tpu.memref_slice %arg11[%mul3A_2] : memref<4104xf32, #tpu.memory_space<vmem_shared>> -> memref<256xf32, #tpu.memory_space<vmem_shared>>
    %dma_wait3A_36 = tpu.memref_slice %arg6[%mul3A_2] : memref<4096xf32, #tpu.memory_space<hbm>> -> memref<256xf32, #tpu.memory_space<hbm>>
    tpu.wait_dma2 semaphore(%dma_wait3A_34 : memref<!tpu.dma_semaphore, #tpu.memory_space<semaphore_mem>>) src(%dma_wait3A_36 : memref<256xf32, #tpu.memory_space<hbm>>) dst(%dma_wait3A_35 : memref<256xf32, #tpu.memory_space<vmem_shared>>)
    %dma_wait3A_37 = arith.constant 5 : i32
    %dma_wait3A_38 = tpu.memref_slice %arg16[%dma_wait3A_37] : memref<10x!tpu.dma_semaphore, #tpu.memory_space<semaphore_mem>> -> memref<1x!tpu.dma_semaphore, #tpu.memory_space<semaphore_mem>>
    %dma_wait3A_39 = tpu.memref_squeeze %dma_wait3A_38 : memref<1x!tpu.dma_semaphore, #tpu.memory_space<semaphore_mem>> -> memref<!tpu.dma_semaphore, #tpu.memory_space<semaphore_mem>>
    %dma_wait3A_40 = arith.constant 0 : i32
    %dma_wait3A_41 = tpu.memref_slice %arg10[%mul3A_2, %dma_wait3A_40] : memref<4104x128xf32, #tpu.memory_space<vmem_shared>> -> memref<256x128xf32, #tpu.memory_space<vmem_shared>>
    %dma_wait3A_42 = tpu.memref_slice %arg5[%mul3A_2, %mul3A_0] : memref<4096x256xf32, #tpu.memory_space<hbm>> -> memref<256x128xf32, #tpu.memory_space<hbm>>
    tpu.wait_dma2 semaphore(%dma_wait3A_39 : memref<!tpu.dma_semaphore, #tpu.memory_space<semaphore_mem>>) src(%dma_wait3A_42 : memref<256x128xf32, #tpu.memory_space<hbm>>) dst(%dma_wait3A_41 : memref<256x128xf32, #tpu.memory_space<vmem_shared>>)
    %barrier3A = arith.constant 0 : index
    tpu.barrier barrier_id(%barrier3A)
    %dma_wait3A_43 = arith.constant 0 : i32
    %dma_wait3A_44 = tpu.memref_slice %arg2[%mul3A_4, %mul3A_0] : memref<8192x256xf32, #tpu.memory_space<hbm>> -> memref<512x128xf32, #tpu.memory_space<hbm>>
    %dma_wait3A_45 = tpu.memref_slice %arg16[%dma_wait3A_43] : memref<10x!tpu.dma_semaphore, #tpu.memory_space<semaphore_mem>> -> memref<1x!tpu.dma_semaphore, #tpu.memory_space<semaphore_mem>>
    %dma_wait3A_46 = tpu.memref_squeeze %dma_wait3A_45 : memref<1x!tpu.dma_semaphore, #tpu.memory_space<semaphore_mem>> -> memref<!tpu.dma_semaphore, #tpu.memory_space<semaphore_mem>>
    %dma_wait3A_47 = tpu.memref_slice %arg2[%mul3A_4, %mul3A_0] : memref<8192x256xf32, #tpu.memory_space<hbm>> -> memref<512x128xf32, #tpu.memory_space<hbm>>
    tpu.wait_dma2 semaphore(%dma_wait3A_46 : memref<!tpu.dma_semaphore, #tpu.memory_space<semaphore_mem>>) src(%dma_wait3A_47 : memref<512x128xf32, #tpu.memory_space<hbm>>) dst(%arg14 : memref<512x128xf32, #tpu.memory_space<vmem>>)
    %dma_wait3A_48 = arith.constant 1 : i32
    %dma_wait3A_49 = tpu.memref_slice %arg3[%mul3A_4] : memref<8192xi32, #tpu.memory_space<hbm>> -> memref<512xi32, #tpu.memory_space<hbm>>
    %dma_wait3A_50 = tpu.memref_slice %arg16[%dma_wait3A_48] : memref<10x!tpu.dma_semaphore, #tpu.memory_space<semaphore_mem>> -> memref<1x!tpu.dma_semaphore, #tpu.memory_space<semaphore_mem>>
    %dma_wait3A_51 = tpu.memref_squeeze %dma_wait3A_50 : memref<1x!tpu.dma_semaphore, #tpu.memory_space<semaphore_mem>> -> memref<!tpu.dma_semaphore, #tpu.memory_space<semaphore_mem>>
    %dma_wait3A_52 = tpu.memref_slice %arg3[%mul3A_4] : memref<8192xi32, #tpu.memory_space<hbm>> -> memref<512xi32, #tpu.memory_space<hbm>>
    tpu.wait_dma2 semaphore(%dma_wait3A_51 : memref<!tpu.dma_semaphore, #tpu.memory_space<semaphore_mem>>) src(%dma_wait3A_52 : memref<512xi32, #tpu.memory_space<hbm>>) dst(%arg12 : memref<512xi32, #tpu.memory_space<vmem>>)
    %dma_start3A_53 = arith.constant 6 : i32
    %dma_start3A_54 = arith.constant 0 : i32
    %dma_start3A_55 = arith.constant 0 : i32
    %dma_start3A_56 = tpu.memref_slice %arg10[%dma_start3A_54, %dma_start3A_55] : memref<4104x128xf32, #tpu.memory_space<vmem_shared>> -> memref<4104x128xf32, #tpu.memory_space<vmem_shared>>
    %dma_start3A_57 = tpu.memref_slice %arg16[%dma_start3A_53] : memref<10x!tpu.dma_semaphore, #tpu.memory_space<semaphore_mem>> -> memref<1x!tpu.dma_semaphore, #tpu.memory_space<semaphore_mem>>
    %dma_start3A_58 = tpu.memref_squeeze %dma_start3A_57 : memref<1x!tpu.dma_semaphore, #tpu.memory_space<semaphore_mem>> -> memref<!tpu.dma_semaphore, #tpu.memory_space<semaphore_mem>>
    tpu.enqueue_indirect_dma source(%arg14 : memref<512x128xf32, #tpu.memory_space<vmem>>) target(%dma_start3A_56 : memref<4104x128xf32, #tpu.memory_space<vmem_shared>>) offsets(%arg12 : memref<512xi32, #tpu.memory_space<vmem>>) semaphore(%dma_start3A_58 : memref<!tpu.dma_semaphore, #tpu.memory_space<semaphore_mem>>) {add = true}
    %eq3A = arith.constant 0 : i32
    %eq3A_59 = arith.cmpi eq, %arg0, %eq3A : i32
    %convert_element_type3A = arith.extui %eq3A_59 : i1 to i32
    %cond3A = arith.constant 3 : i32
    %cond3A_60 = arith.constant 0 : i32
    %cond3A_61 = arith.cmpi ne, %convert_element_type3A, %cond3A_60 : i32
    scf.if %cond3A_61 {
      %dma_wait3A_144 = tpu.memref_slice %arg16[%cond3A] : memref<10x!tpu.dma_semaphore, #tpu.memory_space<semaphore_mem>> -> memref<1x!tpu.dma_semaphore, #tpu.memory_space<semaphore_mem>>
      %dma_wait3A_145 = tpu.memref_squeeze %dma_wait3A_144 : memref<1x!tpu.dma_semaphore, #tpu.memory_space<semaphore_mem>> -> memref<!tpu.dma_semaphore, #tpu.memory_space<semaphore_mem>>
      tpu.wait_dma2 semaphore(%dma_wait3A_145 : memref<!tpu.dma_semaphore, #tpu.memory_space<semaphore_mem>>) src(%arg7 : memref<512xf32, #tpu.memory_space<hbm>>) dst(%arg15 : memref<512xf32, #tpu.memory_space<vmem>>)
      %dma_start3A_146 = arith.constant 7 : i32
      %dma_start3A_147 = arith.constant 0 : i32
      %dma_start3A_148 = tpu.memref_slice %arg11[%dma_start3A_147] : memref<4104xf32, #tpu.memory_space<vmem_shared>> -> memref<4104xf32, #tpu.memory_space<vmem_shared>>
      %dma_start3A_149 = tpu.memref_slice %arg16[%dma_start3A_146] : memref<10x!tpu.dma_semaphore, #tpu.memory_space<semaphore_mem>> -> memref<1x!tpu.dma_semaphore, #tpu.memory_space<semaphore_mem>>
      %dma_start3A_150 = tpu.memref_squeeze %dma_start3A_149 : memref<1x!tpu.dma_semaphore, #tpu.memory_space<semaphore_mem>> -> memref<!tpu.dma_semaphore, #tpu.memory_space<semaphore_mem>>
      tpu.enqueue_indirect_dma source(%arg15 : memref<512xf32, #tpu.memory_space<vmem>>) target(%dma_start3A_148 : memref<4104xf32, #tpu.memory_space<vmem_shared>>) offsets(%arg12 : memref<512xi32, #tpu.memory_space<vmem>>) semaphore(%dma_start3A_150 : memref<!tpu.dma_semaphore, #tpu.memory_space<semaphore_mem>>) {add = true}
      %dma_wait3A_151 = arith.constant 7 : i32
      %dma_wait3A_152 = arith.constant 0 : i32
      %dma_wait3A_153 = tpu.memref_slice %arg11[%dma_wait3A_152] : memref<4104xf32, #tpu.memory_space<vmem_shared>> -> memref<4104xf32, #tpu.memory_space<vmem_shared>>
      %dma_wait3A_154 = tpu.memref_slice %arg16[%dma_wait3A_151] : memref<10x!tpu.dma_semaphore, #tpu.memory_space<semaphore_mem>> -> memref<1x!tpu.dma_semaphore, #tpu.memory_space<semaphore_mem>>
      %dma_wait3A_155 = tpu.memref_squeeze %dma_wait3A_154 : memref<1x!tpu.dma_semaphore, #tpu.memory_space<semaphore_mem>> -> memref<!tpu.dma_semaphore, #tpu.memory_space<semaphore_mem>>
      tpu.wait_indirect_dma semaphore(%dma_wait3A_155 : memref<!tpu.dma_semaphore, #tpu.memory_space<semaphore_mem>>) src(%arg15 : memref<512xf32, #tpu.memory_space<vmem>>) dst(%dma_wait3A_153 : memref<4104xf32, #tpu.memory_space<vmem_shared>>)
    } else {
    }
    %dma_wait3A_62 = arith.constant 6 : i32
    %dma_wait3A_63 = arith.constant 0 : i32
    %dma_wait3A_64 = arith.constant 0 : i32
    %dma_wait3A_65 = tpu.memref_slice %arg10[%dma_wait3A_63, %dma_wait3A_64] : memref<4104x128xf32, #tpu.memory_space<vmem_shared>> -> memref<4104x128xf32, #tpu.memory_space<vmem_shared>>
    %dma_wait3A_66 = tpu.memref_slice %arg16[%dma_wait3A_62] : memref<10x!tpu.dma_semaphore, #tpu.memory_space<semaphore_mem>> -> memref<1x!tpu.dma_semaphore, #tpu.memory_space<semaphore_mem>>
    %dma_wait3A_67 = tpu.memref_squeeze %dma_wait3A_66 : memref<1x!tpu.dma_semaphore, #tpu.memory_space<semaphore_mem>> -> memref<!tpu.dma_semaphore, #tpu.memory_space<semaphore_mem>>
    tpu.wait_indirect_dma semaphore(%dma_wait3A_67 : memref<!tpu.dma_semaphore, #tpu.memory_space<semaphore_mem>>) src(%arg14 : memref<512x128xf32, #tpu.memory_space<vmem>>) dst(%dma_wait3A_65 : memref<4104x128xf32, #tpu.memory_space<vmem_shared>>)
    %barrier3A_68 = arith.constant 0 : index
    tpu.barrier barrier_id(%barrier3A_68)
    %add3A = arith.constant 0 : i32
    %add3A_69 = arith.addi %add3A, %mul3A_2 : i32
    %dma_start3A_70 = arith.constant 8 : i32
    %dma_start3A_71 = tpu.memref_slice %arg16[%dma_start3A_70] : memref<10x!tpu.dma_semaphore, #tpu.memory_space<semaphore_mem>> -> memref<1x!tpu.dma_semaphore, #tpu.memory_space<semaphore_mem>>
    %dma_start3A_72 = tpu.memref_squeeze %dma_start3A_71 : memref<1x!tpu.dma_semaphore, #tpu.memory_space<semaphore_mem>> -> memref<!tpu.dma_semaphore, #tpu.memory_space<semaphore_mem>>
    %dma_start3A_73 = tpu.memref_slice %arg8[%add3A_69, %mul3A_0] : memref<8192x256xf32, #tpu.memory_space<hbm>> -> memref<256x128xf32, #tpu.memory_space<hbm>>
    %dma_start3A_74 = arith.constant 0 : i32
    %dma_start3A_75 = tpu.memref_slice %arg10[%mul3A_2, %dma_start3A_74] : memref<4104x128xf32, #tpu.memory_space<vmem_shared>> -> memref<256x128xf32, #tpu.memory_space<vmem_shared>>
    tpu.enqueue_dma source(%dma_start3A_75 : memref<256x128xf32, #tpu.memory_space<vmem_shared>>) target(%dma_start3A_73 : memref<256x128xf32, #tpu.memory_space<hbm>>) target_semaphore(%dma_start3A_72 : memref<!tpu.dma_semaphore, #tpu.memory_space<semaphore_mem>>)
    %eq3A_76 = arith.constant 0 : i32
    %eq3A_77 = arith.cmpi eq, %arg0, %eq3A_76 : i32
    %convert_element_type3A_78 = arith.extui %eq3A_77 : i1 to i32
    %cond3A_79 = arith.constant 0 : i32
    %cond3A_80 = arith.cmpi ne, %convert_element_type3A_78, %cond3A_79 : i32
    scf.if %cond3A_80 {
      %add3A_144 = arith.constant 0 : i32
      %add3A_145 = arith.addi %add3A_144, %mul3A_2 : i32
      %dma_start3A_146 = arith.constant 9 : i32
      %dma_start3A_147 = tpu.memref_slice %arg16[%dma_start3A_146] : memref<10x!tpu.dma_semaphore, #tpu.memory_space<semaphore_mem>> -> memref<1x!tpu.dma_semaphore, #tpu.memory_space<semaphore_mem>>
      %dma_start3A_148 = tpu.memref_squeeze %dma_start3A_147 : memref<1x!tpu.dma_semaphore, #tpu.memory_space<semaphore_mem>> -> memref<!tpu.dma_semaphore, #tpu.memory_space<semaphore_mem>>
      %dma_start3A_149 = tpu.memref_slice %arg9[%add3A_145] : memref<8192xf32, #tpu.memory_space<hbm>> -> memref<256xf32, #tpu.memory_space<hbm>>
      %dma_start3A_150 = tpu.memref_slice %arg11[%mul3A_2] : memref<4104xf32, #tpu.memory_space<vmem_shared>> -> memref<256xf32, #tpu.memory_space<vmem_shared>>
      tpu.enqueue_dma source(%dma_start3A_150 : memref<256xf32, #tpu.memory_space<vmem_shared>>) target(%dma_start3A_149 : memref<256xf32, #tpu.memory_space<hbm>>) target_semaphore(%dma_start3A_148 : memref<!tpu.dma_semaphore, #tpu.memory_space<semaphore_mem>>)
      %dma_wait3A_151 = arith.constant 9 : i32
      %dma_wait3A_152 = tpu.memref_slice %arg16[%dma_wait3A_151] : memref<10x!tpu.dma_semaphore, #tpu.memory_space<semaphore_mem>> -> memref<1x!tpu.dma_semaphore, #tpu.memory_space<semaphore_mem>>
      %dma_wait3A_153 = tpu.memref_squeeze %dma_wait3A_152 : memref<1x!tpu.dma_semaphore, #tpu.memory_space<semaphore_mem>> -> memref<!tpu.dma_semaphore, #tpu.memory_space<semaphore_mem>>
      %dma_wait3A_154 = tpu.memref_slice %arg9[%add3A_145] : memref<8192xf32, #tpu.memory_space<hbm>> -> memref<256xf32, #tpu.memory_space<hbm>>
      %dma_wait3A_155 = tpu.memref_slice %arg11[%mul3A_2] : memref<4104xf32, #tpu.memory_space<vmem_shared>> -> memref<256xf32, #tpu.memory_space<vmem_shared>>
      tpu.wait_dma2 semaphore(%dma_wait3A_153 : memref<!tpu.dma_semaphore, #tpu.memory_space<semaphore_mem>>) src(%dma_wait3A_155 : memref<256xf32, #tpu.memory_space<vmem_shared>>) dst(%dma_wait3A_154 : memref<256xf32, #tpu.memory_space<hbm>>)
    } else {
    }
    %dma_wait3A_81 = arith.constant 8 : i32
    %dma_wait3A_82 = tpu.memref_slice %arg16[%dma_wait3A_81] : memref<10x!tpu.dma_semaphore, #tpu.memory_space<semaphore_mem>> -> memref<1x!tpu.dma_semaphore, #tpu.memory_space<semaphore_mem>>
    %dma_wait3A_83 = tpu.memref_squeeze %dma_wait3A_82 : memref<1x!tpu.dma_semaphore, #tpu.memory_space<semaphore_mem>> -> memref<!tpu.dma_semaphore, #tpu.memory_space<semaphore_mem>>
    %dma_wait3A_84 = tpu.memref_slice %arg8[%add3A_69, %mul3A_0] : memref<8192x256xf32, #tpu.memory_space<hbm>> -> memref<256x128xf32, #tpu.memory_space<hbm>>
    %dma_wait3A_85 = arith.constant 0 : i32
    %dma_wait3A_86 = tpu.memref_slice %arg10[%mul3A_2, %dma_wait3A_85] : memref<4104x128xf32, #tpu.memory_space<vmem_shared>> -> memref<256x128xf32, #tpu.memory_space<vmem_shared>>
    tpu.wait_dma2 semaphore(%dma_wait3A_83 : memref<!tpu.dma_semaphore, #tpu.memory_space<semaphore_mem>>) src(%dma_wait3A_86 : memref<256x128xf32, #tpu.memory_space<vmem_shared>>) dst(%dma_wait3A_84 : memref<256x128xf32, #tpu.memory_space<hbm>>)
    %barrier3A_87 = arith.constant 0 : index
    tpu.barrier barrier_id(%barrier3A_87)
    %dma_start3A_88 = arith.constant 5 : i32
    %dma_start3A_89 = tpu.memref_slice %arg16[%dma_start3A_88] : memref<10x!tpu.dma_semaphore, #tpu.memory_space<semaphore_mem>> -> memref<1x!tpu.dma_semaphore, #tpu.memory_space<semaphore_mem>>
    %dma_start3A_90 = tpu.memref_squeeze %dma_start3A_89 : memref<1x!tpu.dma_semaphore, #tpu.memory_space<semaphore_mem>> -> memref<!tpu.dma_semaphore, #tpu.memory_space<semaphore_mem>>
    %dma_start3A_91 = arith.constant 0 : i32
    %dma_start3A_92 = tpu.memref_slice %arg10[%mul3A_2, %dma_start3A_91] : memref<4104x128xf32, #tpu.memory_space<vmem_shared>> -> memref<256x128xf32, #tpu.memory_space<vmem_shared>>
    %dma_start3A_93 = tpu.memref_slice %arg5[%mul3A_2, %mul3A_0] : memref<4096x256xf32, #tpu.memory_space<hbm>> -> memref<256x128xf32, #tpu.memory_space<hbm>>
    tpu.enqueue_dma source(%dma_start3A_93 : memref<256x128xf32, #tpu.memory_space<hbm>>) target(%dma_start3A_92 : memref<256x128xf32, #tpu.memory_space<vmem_shared>>) target_semaphore(%dma_start3A_90 : memref<!tpu.dma_semaphore, #tpu.memory_space<semaphore_mem>>)
    %dma_wait3A_94 = arith.constant 5 : i32
    %dma_wait3A_95 = tpu.memref_slice %arg16[%dma_wait3A_94] : memref<10x!tpu.dma_semaphore, #tpu.memory_space<semaphore_mem>> -> memref<1x!tpu.dma_semaphore, #tpu.memory_space<semaphore_mem>>
    %dma_wait3A_96 = tpu.memref_squeeze %dma_wait3A_95 : memref<1x!tpu.dma_semaphore, #tpu.memory_space<semaphore_mem>> -> memref<!tpu.dma_semaphore, #tpu.memory_space<semaphore_mem>>
    %dma_wait3A_97 = arith.constant 0 : i32
    %dma_wait3A_98 = tpu.memref_slice %arg10[%mul3A_2, %dma_wait3A_97] : memref<4104x128xf32, #tpu.memory_space<vmem_shared>> -> memref<256x128xf32, #tpu.memory_space<vmem_shared>>
    %dma_wait3A_99 = tpu.memref_slice %arg5[%mul3A_2, %mul3A_0] : memref<4096x256xf32, #tpu.memory_space<hbm>> -> memref<256x128xf32, #tpu.memory_space<hbm>>
    tpu.wait_dma2 semaphore(%dma_wait3A_96 : memref<!tpu.dma_semaphore, #tpu.memory_space<semaphore_mem>>) src(%dma_wait3A_99 : memref<256x128xf32, #tpu.memory_space<hbm>>) dst(%dma_wait3A_98 : memref<256x128xf32, #tpu.memory_space<vmem_shared>>)
    %barrier3A_100 = arith.constant 0 : index
    tpu.barrier barrier_id(%barrier3A_100)
    %dma_wait3A_101 = arith.constant 2 : i32
    %dma_wait3A_102 = tpu.memref_slice %arg4[%mul3A_4] : memref<8192xi32, #tpu.memory_space<hbm>> -> memref<512xi32, #tpu.memory_space<hbm>>
    %dma_wait3A_103 = tpu.memref_slice %arg16[%dma_wait3A_101] : memref<10x!tpu.dma_semaphore, #tpu.memory_space<semaphore_mem>> -> memref<1x!tpu.dma_semaphore, #tpu.memory_space<semaphore_mem>>
    %dma_wait3A_104 = tpu.memref_squeeze %dma_wait3A_103 : memref<1x!tpu.dma_semaphore, #tpu.memory_space<semaphore_mem>> -> memref<!tpu.dma_semaphore, #tpu.memory_space<semaphore_mem>>
    %dma_wait3A_105 = tpu.memref_slice %arg4[%mul3A_4] : memref<8192xi32, #tpu.memory_space<hbm>> -> memref<512xi32, #tpu.memory_space<hbm>>
    tpu.wait_dma2 semaphore(%dma_wait3A_104 : memref<!tpu.dma_semaphore, #tpu.memory_space<semaphore_mem>>) src(%dma_wait3A_105 : memref<512xi32, #tpu.memory_space<hbm>>) dst(%arg13 : memref<512xi32, #tpu.memory_space<vmem>>)
    %dma_start3A_106 = arith.constant 6 : i32
    %dma_start3A_107 = arith.constant 0 : i32
    %dma_start3A_108 = arith.constant 0 : i32
    %dma_start3A_109 = tpu.memref_slice %arg10[%dma_start3A_107, %dma_start3A_108] : memref<4104x128xf32, #tpu.memory_space<vmem_shared>> -> memref<4104x128xf32, #tpu.memory_space<vmem_shared>>
    %dma_start3A_110 = tpu.memref_slice %arg16[%dma_start3A_106] : memref<10x!tpu.dma_semaphore, #tpu.memory_space<semaphore_mem>> -> memref<1x!tpu.dma_semaphore, #tpu.memory_space<semaphore_mem>>
    %dma_start3A_111 = tpu.memref_squeeze %dma_start3A_110 : memref<1x!tpu.dma_semaphore, #tpu.memory_space<semaphore_mem>> -> memref<!tpu.dma_semaphore, #tpu.memory_space<semaphore_mem>>
    tpu.enqueue_indirect_dma source(%arg14 : memref<512x128xf32, #tpu.memory_space<vmem>>) target(%dma_start3A_109 : memref<4104x128xf32, #tpu.memory_space<vmem_shared>>) offsets(%arg13 : memref<512xi32, #tpu.memory_space<vmem>>) semaphore(%dma_start3A_111 : memref<!tpu.dma_semaphore, #tpu.memory_space<semaphore_mem>>) {add = true}
    %eq3A_112 = arith.constant 1 : i32
    %eq3A_113 = arith.cmpi eq, %arg0, %eq3A_112 : i32
    %convert_element_type3A_114 = arith.extui %eq3A_113 : i1 to i32
    %cond3A_115 = arith.constant 0 : i32
    %cond3A_116 = arith.cmpi ne, %convert_element_type3A_114, %cond3A_115 : i32
    scf.if %cond3A_116 {
      %dma_start3A_144 = arith.constant 7 : i32
      %dma_start3A_145 = arith.constant 0 : i32
      %dma_start3A_146 = tpu.memref_slice %arg11[%dma_start3A_145] : memref<4104xf32, #tpu.memory_space<vmem_shared>> -> memref<4104xf32, #tpu.memory_space<vmem_shared>>
      %dma_start3A_147 = tpu.memref_slice %arg16[%dma_start3A_144] : memref<10x!tpu.dma_semaphore, #tpu.memory_space<semaphore_mem>> -> memref<1x!tpu.dma_semaphore, #tpu.memory_space<semaphore_mem>>
      %dma_start3A_148 = tpu.memref_squeeze %dma_start3A_147 : memref<1x!tpu.dma_semaphore, #tpu.memory_space<semaphore_mem>> -> memref<!tpu.dma_semaphore, #tpu.memory_space<semaphore_mem>>
      tpu.enqueue_indirect_dma source(%arg15 : memref<512xf32, #tpu.memory_space<vmem>>) target(%dma_start3A_146 : memref<4104xf32, #tpu.memory_space<vmem_shared>>) offsets(%arg13 : memref<512xi32, #tpu.memory_space<vmem>>) semaphore(%dma_start3A_148 : memref<!tpu.dma_semaphore, #tpu.memory_space<semaphore_mem>>) {add = true}
      %dma_wait3A_149 = arith.constant 7 : i32
      %dma_wait3A_150 = arith.constant 0 : i32
      %dma_wait3A_151 = tpu.memref_slice %arg11[%dma_wait3A_150] : memref<4104xf32, #tpu.memory_space<vmem_shared>> -> memref<4104xf32, #tpu.memory_space<vmem_shared>>
      %dma_wait3A_152 = tpu.memref_slice %arg16[%dma_wait3A_149] : memref<10x!tpu.dma_semaphore, #tpu.memory_space<semaphore_mem>> -> memref<1x!tpu.dma_semaphore, #tpu.memory_space<semaphore_mem>>
      %dma_wait3A_153 = tpu.memref_squeeze %dma_wait3A_152 : memref<1x!tpu.dma_semaphore, #tpu.memory_space<semaphore_mem>> -> memref<!tpu.dma_semaphore, #tpu.memory_space<semaphore_mem>>
      tpu.wait_indirect_dma semaphore(%dma_wait3A_153 : memref<!tpu.dma_semaphore, #tpu.memory_space<semaphore_mem>>) src(%arg15 : memref<512xf32, #tpu.memory_space<vmem>>) dst(%dma_wait3A_151 : memref<4104xf32, #tpu.memory_space<vmem_shared>>)
    } else {
    }
    %dma_wait3A_117 = arith.constant 6 : i32
    %dma_wait3A_118 = arith.constant 0 : i32
    %dma_wait3A_119 = arith.constant 0 : i32
    %dma_wait3A_120 = tpu.memref_slice %arg10[%dma_wait3A_118, %dma_wait3A_119] : memref<4104x128xf32, #tpu.memory_space<vmem_shared>> -> memref<4104x128xf32, #tpu.memory_space<vmem_shared>>
    %dma_wait3A_121 = tpu.memref_slice %arg16[%dma_wait3A_117] : memref<10x!tpu.dma_semaphore, #tpu.memory_space<semaphore_mem>> -> memref<1x!tpu.dma_semaphore, #tpu.memory_space<semaphore_mem>>
    %dma_wait3A_122 = tpu.memref_squeeze %dma_wait3A_121 : memref<1x!tpu.dma_semaphore, #tpu.memory_space<semaphore_mem>> -> memref<!tpu.dma_semaphore, #tpu.memory_space<semaphore_mem>>
    tpu.wait_indirect_dma semaphore(%dma_wait3A_122 : memref<!tpu.dma_semaphore, #tpu.memory_space<semaphore_mem>>) src(%arg14 : memref<512x128xf32, #tpu.memory_space<vmem>>) dst(%dma_wait3A_120 : memref<4104x128xf32, #tpu.memory_space<vmem_shared>>)
    %barrier3A_123 = arith.constant 0 : index
    tpu.barrier barrier_id(%barrier3A_123)
    %add3A_124 = arith.constant 4096 : i32
    %add3A_125 = arith.addi %add3A_124, %mul3A_2 : i32
    %dma_start3A_126 = arith.constant 8 : i32
    %dma_start3A_127 = tpu.memref_slice %arg16[%dma_start3A_126] : memref<10x!tpu.dma_semaphore, #tpu.memory_space<semaphore_mem>> -> memref<1x!tpu.dma_semaphore, #tpu.memory_space<semaphore_mem>>
    %dma_start3A_128 = tpu.memref_squeeze %dma_start3A_127 : memref<1x!tpu.dma_semaphore, #tpu.memory_space<semaphore_mem>> -> memref<!tpu.dma_semaphore, #tpu.memory_space<semaphore_mem>>
    %dma_start3A_129 = tpu.memref_slice %arg8[%add3A_125, %mul3A_0] : memref<8192x256xf32, #tpu.memory_space<hbm>> -> memref<256x128xf32, #tpu.memory_space<hbm>>
    %dma_start3A_130 = arith.constant 0 : i32
    %dma_start3A_131 = tpu.memref_slice %arg10[%mul3A_2, %dma_start3A_130] : memref<4104x128xf32, #tpu.memory_space<vmem_shared>> -> memref<256x128xf32, #tpu.memory_space<vmem_shared>>
    tpu.enqueue_dma source(%dma_start3A_131 : memref<256x128xf32, #tpu.memory_space<vmem_shared>>) target(%dma_start3A_129 : memref<256x128xf32, #tpu.memory_space<hbm>>) target_semaphore(%dma_start3A_128 : memref<!tpu.dma_semaphore, #tpu.memory_space<semaphore_mem>>)
    %eq3A_132 = arith.constant 1 : i32
    %eq3A_133 = arith.cmpi eq, %arg0, %eq3A_132 : i32
    %convert_element_type3A_134 = arith.extui %eq3A_133 : i1 to i32
    %cond3A_135 = arith.constant 0 : i32
    %cond3A_136 = arith.cmpi ne, %convert_element_type3A_134, %cond3A_135 : i32
    scf.if %cond3A_136 {
      %add3A_144 = arith.constant 4096 : i32
      %add3A_145 = arith.addi %add3A_144, %mul3A_2 : i32
      %dma_start3A_146 = arith.constant 9 : i32
      %dma_start3A_147 = tpu.memref_slice %arg16[%dma_start3A_146] : memref<10x!tpu.dma_semaphore, #tpu.memory_space<semaphore_mem>> -> memref<1x!tpu.dma_semaphore, #tpu.memory_space<semaphore_mem>>
      %dma_start3A_148 = tpu.memref_squeeze %dma_start3A_147 : memref<1x!tpu.dma_semaphore, #tpu.memory_space<semaphore_mem>> -> memref<!tpu.dma_semaphore, #tpu.memory_space<semaphore_mem>>
      %dma_start3A_149 = tpu.memref_slice %arg9[%add3A_145] : memref<8192xf32, #tpu.memory_space<hbm>> -> memref<256xf32, #tpu.memory_space<hbm>>
      %dma_start3A_150 = tpu.memref_slice %arg11[%mul3A_2] : memref<4104xf32, #tpu.memory_space<vmem_shared>> -> memref<256xf32, #tpu.memory_space<vmem_shared>>
      tpu.enqueue_dma source(%dma_start3A_150 : memref<256xf32, #tpu.memory_space<vmem_shared>>) target(%dma_start3A_149 : memref<256xf32, #tpu.memory_space<hbm>>) target_semaphore(%dma_start3A_148 : memref<!tpu.dma_semaphore, #tpu.memory_space<semaphore_mem>>)
      %dma_wait3A_151 = arith.constant 9 : i32
      %dma_wait3A_152 = tpu.memref_slice %arg16[%dma_wait3A_151] : memref<10x!tpu.dma_semaphore, #tpu.memory_space<semaphore_mem>> -> memref<1x!tpu.dma_semaphore, #tpu.memory_space<semaphore_mem>>
      %dma_wait3A_153 = tpu.memref_squeeze %dma_wait3A_152 : memref<1x!tpu.dma_semaphore, #tpu.memory_space<semaphore_mem>> -> memref<!tpu.dma_semaphore, #tpu.memory_space<semaphore_mem>>
      %dma_wait3A_154 = tpu.memref_slice %arg9[%add3A_145] : memref<8192xf32, #tpu.memory_space<hbm>> -> memref<256xf32, #tpu.memory_space<hbm>>
      %dma_wait3A_155 = tpu.memref_slice %arg11[%mul3A_2] : memref<4104xf32, #tpu.memory_space<vmem_shared>> -> memref<256xf32, #tpu.memory_space<vmem_shared>>
      tpu.wait_dma2 semaphore(%dma_wait3A_153 : memref<!tpu.dma_semaphore, #tpu.memory_space<semaphore_mem>>) src(%dma_wait3A_155 : memref<256xf32, #tpu.memory_space<vmem_shared>>) dst(%dma_wait3A_154 : memref<256xf32, #tpu.memory_space<hbm>>)
    } else {
    }
    %dma_wait3A_137 = arith.constant 8 : i32
    %dma_wait3A_138 = tpu.memref_slice %arg16[%dma_wait3A_137] : memref<10x!tpu.dma_semaphore, #tpu.memory_space<semaphore_mem>> -> memref<1x!tpu.dma_semaphore, #tpu.memory_space<semaphore_mem>>
    %dma_wait3A_139 = tpu.memref_squeeze %dma_wait3A_138 : memref<1x!tpu.dma_semaphore, #tpu.memory_space<semaphore_mem>> -> memref<!tpu.dma_semaphore, #tpu.memory_space<semaphore_mem>>
    %dma_wait3A_140 = tpu.memref_slice %arg8[%add3A_125, %mul3A_0] : memref<8192x256xf32, #tpu.memory_space<hbm>> -> memref<256x128xf32, #tpu.memory_space<hbm>>
    %dma_wait3A_141 = arith.constant 0 : i32
    %dma_wait3A_142 = tpu.memref_slice %arg10[%mul3A_2, %dma_wait3A_141] : memref<4104x128xf32, #tpu.memory_space<vmem_shared>> -> memref<256x128xf32, #tpu.memory_space<vmem_shared>>
    tpu.wait_dma2 semaphore(%dma_wait3A_139 : memref<!tpu.dma_semaphore, #tpu.memory_space<semaphore_mem>>) src(%dma_wait3A_142 : memref<256x128xf32, #tpu.memory_space<vmem_shared>>) dst(%dma_wait3A_140 : memref<256x128xf32, #tpu.memory_space<hbm>>)
    %barrier3A_143 = arith.constant 0 : index
    tpu.barrier barrier_id(%barrier3A_143)
    return
  }
}

module attributes {stable_mosaic.version = 14 : i64} {
  func.func @_stats_body(%arg0: i32, %arg1: memref<1024x256xf32, #tpu.memory_space<vmem>>, %arg2: memref<1x256xf32, #tpu.memory_space<vmem>>, %arg3: memref<1x256xf32, #tpu.memory_space<vmem>>) attributes {dimension_semantics = [#tpu.dimension_semantics<arbitrary>], iteration_bounds = array<i64: 16>, scalar_prefetch = 0 : i64, scratch_operands = 0 : i64, tpu.core_type = #tpu.core_type<tc>, window_params = [{transform_indices = @transform_0, window_bounds = array<i64: 1024, 256>}, {pipeline_mode = #tpu.pipeline_mode<synchronous>, transform_indices = @transform_1, window_bounds = array<i64: 1, 256>}, {pipeline_mode = #tpu.pipeline_mode<synchronous>, transform_indices = @transform_2, window_bounds = array<i64: 1, 256>}]} {
    %get3A = arith.constant 0 : index
    %get3A_0 = arith.constant 0 : index
    %get3A_1 = vector.load %arg1[%get3A, %get3A_0] : memref<1024x256xf32, #tpu.memory_space<vmem>>, vector<1024x256xf32>
    %reduce_sum3A = arith.constant dense<0.000000e+00> : vector<256xf32>
    %reduce_sum3A_2 = vector.multi_reduction <add>, %get3A_1, %reduce_sum3A [0] : vector<1024x256xf32> to vector<256xf32>
    %broadcast_in_dim3A = vector.shape_cast %reduce_sum3A_2 : vector<256xf32> to vector<1x256xf32>
    %mul3A = arith.mulf %get3A_1, %get3A_1 : vector<1024x256xf32>
    %reduce_sum3A_3 = arith.constant dense<0.000000e+00> : vector<256xf32>
    %reduce_sum3A_4 = vector.multi_reduction <add>, %mul3A, %reduce_sum3A_3 [0] : vector<1024x256xf32> to vector<256xf32>
    %broadcast_in_dim3A_5 = vector.shape_cast %reduce_sum3A_4 : vector<256xf32> to vector<1x256xf32>
    %eq3A = arith.constant 0 : i32
    %eq3A_6 = arith.cmpi eq, %arg0, %eq3A : i32
    %convert_element_type3A = arith.extui %eq3A_6 : i1 to i32
    %cond3A = arith.constant 0 : i32
    %cond3A_7 = arith.cmpi ne, %convert_element_type3A, %cond3A : i32
    scf.if %cond3A_7 {
      %swap3A = arith.constant 0 : index
      %swap3A_17 = arith.constant 0 : index
      %swap3A_18 = vector.load %arg2[%swap3A, %swap3A_17] : memref<1x256xf32, #tpu.memory_space<vmem>>, vector<1x256xf32>
      tpu.vector_store %arg2[%swap3A, %swap3A_17], %broadcast_in_dim3A {strides = array<i32>} : memref<1x256xf32, #tpu.memory_space<vmem>>, vector<1x256xf32>,
      %swap3A_19 = arith.constant 0 : index
      %swap3A_20 = arith.constant 0 : index
      %swap3A_21 = vector.load %arg3[%swap3A_19, %swap3A_20] : memref<1x256xf32, #tpu.memory_space<vmem>>, vector<1x256xf32>
      tpu.vector_store %arg3[%swap3A_19, %swap3A_20], %broadcast_in_dim3A_5 {strides = array<i32>} : memref<1x256xf32, #tpu.memory_space<vmem>>, vector<1x256xf32>,
    } else {
    }
    %gt3A = arith.constant 0 : i32
    %gt3A_8 = arith.cmpi sgt, %arg0, %gt3A : i32
    %convert_element_type3A_9 = arith.extui %gt3A_8 : i1 to i32
    %cond3A_10 = arith.constant 0 : i32
    %cond3A_11 = arith.cmpi ne, %convert_element_type3A_9, %cond3A_10 : i32
    scf.if %cond3A_11 {
      %get3A_17 = arith.constant 0 : index
      %get3A_18 = arith.constant 0 : index
      %get3A_19 = vector.load %arg2[%get3A_17, %get3A_18] : memref<1x256xf32, #tpu.memory_space<vmem>>, vector<1x256xf32>
      %add3A = arith.addf %get3A_19, %broadcast_in_dim3A : vector<1x256xf32>
      %swap3A = arith.constant 0 : index
      %swap3A_20 = arith.constant 0 : index
      %swap3A_21 = vector.load %arg2[%swap3A, %swap3A_20] : memref<1x256xf32, #tpu.memory_space<vmem>>, vector<1x256xf32>
      tpu.vector_store %arg2[%swap3A, %swap3A_20], %add3A {strides = array<i32>} : memref<1x256xf32, #tpu.memory_space<vmem>>, vector<1x256xf32>,
      %get3A_22 = arith.constant 0 : index
      %get3A_23 = arith.constant 0 : index
      %get3A_24 = vector.load %arg3[%get3A_22, %get3A_23] : memref<1x256xf32, #tpu.memory_space<vmem>>, vector<1x256xf32>
      %add3A_25 = arith.addf %get3A_24, %broadcast_in_dim3A_5 : vector<1x256xf32>
      %swap3A_26 = arith.constant 0 : index
      %swap3A_27 = arith.constant 0 : index
      %swap3A_28 = vector.load %arg3[%swap3A_26, %swap3A_27] : memref<1x256xf32, #tpu.memory_space<vmem>>, vector<1x256xf32>
      tpu.vector_store %arg3[%swap3A_26, %swap3A_27], %add3A_25 {strides = array<i32>} : memref<1x256xf32, #tpu.memory_space<vmem>>, vector<1x256xf32>,
    } else {
    }
    %eq3A_12 = arith.constant 15 : i32
    %eq3A_13 = arith.cmpi eq, %arg0, %eq3A_12 : i32
    %convert_element_type3A_14 = arith.extui %eq3A_13 : i1 to i32
    %cond3A_15 = arith.constant 0 : i32
    %cond3A_16 = arith.cmpi ne, %convert_element_type3A_14, %cond3A_15 : i32
    scf.if %cond3A_16 {
      %get3A_17 = arith.constant 0 : index
      %get3A_18 = arith.constant 0 : index
      %get3A_19 = vector.load %arg2[%get3A_17, %get3A_18] : memref<1x256xf32, #tpu.memory_space<vmem>>, vector<1x256xf32>
      %mul3A_20 = arith.constant 6.10351563E-5 : f32
      %mul3A_21 = vector.broadcast %mul3A_20 : f32 to vector<1x256xf32>
      %mul3A_22 = arith.mulf %get3A_19, %mul3A_21 : vector<1x256xf32>
      %get3A_23 = arith.constant 0 : index
      %get3A_24 = arith.constant 0 : index
      %get3A_25 = vector.load %arg3[%get3A_23, %get3A_24] : memref<1x256xf32, #tpu.memory_space<vmem>>, vector<1x256xf32>
      %mul3A_26 = arith.constant 6.10351563E-5 : f32
      %mul3A_27 = vector.broadcast %mul3A_26 : f32 to vector<1x256xf32>
      %mul3A_28 = arith.mulf %get3A_25, %mul3A_27 : vector<1x256xf32>
      %mul3A_29 = arith.mulf %mul3A_22, %mul3A_22 : vector<1x256xf32>
      %sub3A = arith.subf %mul3A_28, %mul3A_29 : vector<1x256xf32>
      %swap3A = arith.constant 0 : index
      %swap3A_30 = arith.constant 0 : index
      %swap3A_31 = vector.load %arg2[%swap3A, %swap3A_30] : memref<1x256xf32, #tpu.memory_space<vmem>>, vector<1x256xf32>
      tpu.vector_store %arg2[%swap3A, %swap3A_30], %mul3A_22 {strides = array<i32>} : memref<1x256xf32, #tpu.memory_space<vmem>>, vector<1x256xf32>,
      %swap3A_32 = arith.constant 0 : index
      %swap3A_33 = arith.constant 0 : index
      %swap3A_34 = vector.load %arg3[%swap3A_32, %swap3A_33] : memref<1x256xf32, #tpu.memory_space<vmem>>, vector<1x256xf32>
      tpu.vector_store %arg3[%swap3A_32, %swap3A_33], %sub3A {strides = array<i32>} : memref<1x256xf32, #tpu.memory_space<vmem>>, vector<1x256xf32>,
    } else {
    }
    return
  }
  func.func @transform_0(%arg0: i32) -> (i32, i32) {
    %c0_i32 = arith.constant 0 : i32
    %c0_i32_0 = arith.constant 0 : i32
    return %arg0, %c0_i32 : i32, i32
  }
  func.func @transform_1(%arg0: i32) -> (i32, i32) {
    %c0_i32 = arith.constant 0 : i32
    %c0_i32_0 = arith.constant 0 : i32
    %c0_i32_1 = arith.constant 0 : i32
    return %c0_i32, %c0_i32_0 : i32, i32
  }
  func.func @transform_2(%arg0: i32) -> (i32, i32) {
    %c0_i32 = arith.constant 0 : i32
    %c0_i32_0 = arith.constant 0 : i32
    %c0_i32_1 = arith.constant 0 : i32
    return %c0_i32, %c0_i32_0 : i32, i32
  }
}

module attributes {stable_mosaic.version = 14 : i64} {
  func.func @_assign_body(%arg0: i32, %arg1: memref<1024x256xf32, #tpu.memory_space<vmem>>, %arg2: memref<256x8192xbf16, #tpu.memory_space<vmem>>, %arg3: memref<1x256xf32, #tpu.memory_space<vmem>>, %arg4: memref<1x256xf32, #tpu.memory_space<vmem>>, %arg5: memref<1024x256xf32, #tpu.memory_space<vmem>>, %arg6: memref<1024x1xi32, #tpu.memory_space<vmem>>, %arg7: memref<1024x1xi32, #tpu.memory_space<vmem>>, %arg8: memref<1x8192xf32, #tpu.memory_space<vmem>>, %arg9: memref<1x8192xf32, #tpu.memory_space<vmem>>) attributes {dimension_semantics = [#tpu.dimension_semantics<arbitrary>], iteration_bounds = array<i64: 8>, scalar_prefetch = 0 : i64, scratch_operands = 2 : i64, tpu.core_type = #tpu.core_type<tc>, window_params = [{transform_indices = @transform_0, window_bounds = array<i64: 1024, 256>}, {pipeline_mode = #tpu.pipeline_mode<synchronous>, transform_indices = @transform_1, window_bounds = array<i64: 256, 8192>}, {pipeline_mode = #tpu.pipeline_mode<synchronous>, transform_indices = @transform_2, window_bounds = array<i64: 1, 256>}, {pipeline_mode = #tpu.pipeline_mode<synchronous>, transform_indices = @transform_3, window_bounds = array<i64: 1, 256>}, {transform_indices = @transform_4, window_bounds = array<i64: 1024, 256>}, {transform_indices = @transform_5, window_bounds = array<i64: 1024, 1>}, {transform_indices = @transform_6, window_bounds = array<i64: 1024, 1>}]} {
    %eq3A = arith.constant 0 : i32
    %eq3A_0 = arith.cmpi eq, %arg0, %eq3A : i32
    %convert_element_type3A = arith.extui %eq3A_0 : i1 to i32
    %cond3A = arith.constant 0 : i32
    %cond3A_1 = arith.cmpi ne, %convert_element_type3A, %cond3A : i32
    scf.if %cond3A_1 {
      %get3A_268 = arith.constant 0 : index
      %get3A_269 = arith.constant 0 : index
      %get3A_270 = vector.load %arg2[%get3A_268, %get3A_269] : memref<256x8192xbf16, #tpu.memory_space<vmem>>, vector<256x8192xbf16>
      %convert_element_type3A_271 = arith.extf %get3A_270 : vector<256x8192xbf16> to vector<256x8192xf32>
      %mul3A_272 = arith.mulf %convert_element_type3A_271, %convert_element_type3A_271 : vector<256x8192xf32>
      %reduce_sum3A = arith.constant dense<0.000000e+00> : vector<8192xf32>
      %reduce_sum3A_273 = vector.multi_reduction <add>, %mul3A_272, %reduce_sum3A [0] : vector<256x8192xf32> to vector<8192xf32>
      %broadcast_in_dim3A_274 = vector.shape_cast %reduce_sum3A_273 : vector<8192xf32> to vector<1x8192xf32>
      %swap3A_275 = arith.constant 0 : index
      %swap3A_276 = arith.constant 0 : index
      %swap3A_277 = vector.load %arg8[%swap3A_275, %swap3A_276] : memref<1x8192xf32, #tpu.memory_space<vmem>>, vector<1x8192xf32>
      tpu.vector_store %arg8[%swap3A_275, %swap3A_276], %broadcast_in_dim3A_274 {strides = array<i32>} : memref<1x8192xf32, #tpu.memory_space<vmem>>, vector<1x8192xf32>,
      %iota3A = tpu.iota {dimensions = array<i32: 1>} : vector<1x8192xi32>
      %convert_element_type3A_278 = arith.sitofp %iota3A : vector<1x8192xi32> to vector<1x8192xf32>
      %swap3A_279 = arith.constant 0 : index
      %swap3A_280 = arith.constant 0 : index
      %swap3A_281 = vector.load %arg9[%swap3A_279, %swap3A_280] : memref<1x8192xf32, #tpu.memory_space<vmem>>, vector<1x8192xf32>
      tpu.vector_store %arg9[%swap3A_279, %swap3A_280], %convert_element_type3A_278 {strides = array<i32>} : memref<1x8192xf32, #tpu.memory_space<vmem>>, vector<1x8192xf32>,
    } else {
    }
    %get3A = arith.constant 0 : index
    %get3A_2 = arith.constant 0 : index
    %get3A_3 = vector.load %arg4[%get3A, %get3A_2] : memref<1x256xf32, #tpu.memory_space<vmem>>, vector<1x256xf32>
    %add3A = arith.constant 9.99999974E-6 : f32
    %add3A_4 = vector.broadcast %add3A : f32 to vector<1x256xf32>
    %add3A_5 = arith.addf %get3A_3, %add3A_4 : vector<1x256xf32>
    %rsqrt3A = math.rsqrt %add3A_5 : vector<1x256xf32>
    %get3A_6 = arith.constant 0 : index
    %get3A_7 = arith.constant 0 : index
    %get3A_8 = vector.load %arg1[%get3A_6, %get3A_7] : memref<1024x256xf32, #tpu.memory_space<vmem>>, vector<1024x256xf32>
    %get3A_9 = arith.constant 0 : index
    %get3A_10 = arith.constant 0 : index
    %get3A_11 = vector.load %arg3[%get3A_9, %get3A_10] : memref<1x256xf32, #tpu.memory_space<vmem>>, vector<1x256xf32>
    %sub3A = vector.broadcast %get3A_11 : vector<1x256xf32> to vector<1024x256xf32>
    %sub3A_12 = arith.subf %get3A_8, %sub3A : vector<1024x256xf32>
    %mul3A = vector.broadcast %rsqrt3A : vector<1x256xf32> to vector<1024x256xf32>
    %mul3A_13 = arith.mulf %sub3A_12, %mul3A : vector<1024x256xf32>
    %swap3A = arith.constant 0 : index
    %swap3A_14 = arith.constant 0 : index
    %swap3A_15 = vector.load %arg5[%swap3A, %swap3A_14] : memref<1024x256xf32, #tpu.memory_space<vmem>>, vector<1024x256xf32>
    tpu.vector_store %arg5[%swap3A, %swap3A_14], %mul3A_13 {strides = array<i32>} : memref<1024x256xf32, #tpu.memory_space<vmem>>, vector<1024x256xf32>,
    %mul3A_16 = arith.constant -2.000000e+00 : f32
    %mul3A_17 = vector.broadcast %mul3A_16 : f32 to vector<1024x256xf32>
    %mul3A_18 = arith.mulf %mul3A_13, %mul3A_17 : vector<1024x256xf32>
    %convert_element_type3A_19 = arith.truncf %mul3A_18 : vector<1024x256xf32> to vector<1024x256xbf16>
    %broadcast_in_dim3A = arith.constant 0x7F800000 : f32
    %broadcast_in_dim3A_20 = vector.broadcast %broadcast_in_dim3A : f32 to vector<1024x1xf32>
    %broadcast_in_dim3A_21 = arith.constant 0.000000e+00 : f32
    %broadcast_in_dim3A_22 = vector.broadcast %broadcast_in_dim3A_21 : f32 to vector<1024x1xf32>
    %get3A_23 = arith.constant 0 : index
    %get3A_24 = arith.constant 0 : index
    %get3A_25 = vector.load %arg2[%get3A_23, %get3A_24] : memref<256x8192xbf16, #tpu.memory_space<vmem>>, vector<256x1024xbf16>
    %dot_general3A = arith.constant dense<0.000000e+00> : vector<1024x1024xf32>
    %dot_general3A_26 = tpu.matmul %convert_element_type3A_19, %get3A_25, %dot_general3A {dimension_numbers = #tpu.dot_dimension_numbers<[1], [0], [0], [1], [0, 0, 1, 1], [], []>, transpose_lhs_hint = false} : vector<1024x256xbf16>, vector<256x1024xbf16>, vector<1024x1024xf32> -> vector<1024x1024xf32>
    %get3A_27 = arith.constant 0 : index
    %get3A_28 = arith.constant 0 : index
    %get3A_29 = vector.load %arg8[%get3A_27, %get3A_28] : memref<1x8192xf32, #tpu.memory_space<vmem>>, vector<1x1024xf32>
    %add3A_30 = vector.broadcast %get3A_29 : vector<1x1024xf32> to vector<1024x1024xf32>
    %add3A_31 = arith.addf %dot_general3A_26, %add3A_30 : vector<1024x1024xf32>
    %reduce_min3A = arith.constant dense<0x7F800000> : vector<1024xf32>
    %reduce_min3A_32 = vector.multi_reduction <minimumf>, %add3A_31, %reduce_min3A [1] : vector<1024x1024xf32> to vector<1024xf32>
    %broadcast_in_dim3A_33 = vector.shape_cast %reduce_min3A_32 : vector<1024xf32> to vector<1024x1xf32>
    %eq3A_34 = vector.broadcast %broadcast_in_dim3A_33 : vector<1024x1xf32> to vector<1024x1024xf32>
    %eq3A_35 = arith.cmpf oeq, %add3A_31, %eq3A_34 : vector<1024x1024xf32>
    %get3A_36 = arith.constant 0 : index
    %get3A_37 = arith.constant 0 : index
    %get3A_38 = vector.load %arg9[%get3A_36, %get3A_37] : memref<1x8192xf32, #tpu.memory_space<vmem>>, vector<1x1024xf32>
    %jit3A = arith.constant 1.000000e+09 : f32
    %broadcast_in_dim3A_39 = vector.shape_cast %get3A_38 : vector<1x1024xf32> to vector<1x1024xf32>
    %broadcast_in_dim3A_40 = vector.broadcast %broadcast_in_dim3A_39 : vector<1x1024xf32> to vector<1024x1024xf32>
    %broadcast_in_dim3A_41 = vector.broadcast %jit3A : f32 to vector<1024x1024xf32>
    %select_n3A = arith.select %eq3A_35, %broadcast_in_dim3A_40, %broadcast_in_dim3A_41 : vector<1024x1024xi1>, vector<1024x1024xf32>
    %reduce_min3A_42 = arith.constant dense<0x7F800000> : vector<1024xf32>
    %reduce_min3A_43 = vector.multi_reduction <minimumf>, %select_n3A, %reduce_min3A_42 [1] : vector<1024x1024xf32> to vector<1024xf32>
    %broadcast_in_dim3A_44 = vector.shape_cast %reduce_min3A_43 : vector<1024xf32> to vector<1024x1xf32>
    %lt3A = arith.cmpf olt, %broadcast_in_dim3A_33, %broadcast_in_dim3A_20 : vector<1024x1xf32>
    %select_n3A_45 = arith.select %lt3A, %broadcast_in_dim3A_44, %broadcast_in_dim3A_22 : vector<1024x1xi1>, vector<1024x1xf32>
    %select_n3A_46 = arith.select %lt3A, %broadcast_in_dim3A_33, %broadcast_in_dim3A_20 : vector<1024x1xi1>, vector<1024x1xf32>
    %get3A_47 = arith.constant 0 : index
    %get3A_48 = arith.constant 1024 : index
    %get3A_49 = vector.load %arg2[%get3A_47, %get3A_48] : memref<256x8192xbf16, #tpu.memory_space<vmem>>, vector<256x1024xbf16>
    %dot_general3A_50 = arith.constant dense<0.000000e+00> : vector<1024x1024xf32>
    %dot_general3A_51 = tpu.matmul %convert_element_type3A_19, %get3A_49, %dot_general3A_50 {dimension_numbers = #tpu.dot_dimension_numbers<[1], [0], [0], [1], [0, 0, 1, 1], [], []>, transpose_lhs_hint = false} : vector<1024x256xbf16>, vector<256x1024xbf16>, vector<1024x1024xf32> -> vector<1024x1024xf32>
    %get3A_52 = arith.constant 0 : index
    %get3A_53 = arith.constant 1024 : index
    %get3A_54 = vector.load %arg8[%get3A_52, %get3A_53] : memref<1x8192xf32, #tpu.memory_space<vmem>>, vector<1x1024xf32>
    %add3A_55 = vector.broadcast %get3A_54 : vector<1x1024xf32> to vector<1024x1024xf32>
    %add3A_56 = arith.addf %dot_general3A_51, %add3A_55 : vector<1024x1024xf32>
    %reduce_min3A_57 = arith.constant dense<0x7F800000> : vector<1024xf32>
    %reduce_min3A_58 = vector.multi_reduction <minimumf>, %add3A_56, %reduce_min3A_57 [1] : vector<1024x1024xf32> to vector<1024xf32>
    %broadcast_in_dim3A_59 = vector.shape_cast %reduce_min3A_58 : vector<1024xf32> to vector<1024x1xf32>
    %eq3A_60 = vector.broadcast %broadcast_in_dim3A_59 : vector<1024x1xf32> to vector<1024x1024xf32>
    %eq3A_61 = arith.cmpf oeq, %add3A_56, %eq3A_60 : vector<1024x1024xf32>
    %get3A_62 = arith.constant 0 : index
    %get3A_63 = arith.constant 1024 : index
    %get3A_64 = vector.load %arg9[%get3A_62, %get3A_63] : memref<1x8192xf32, #tpu.memory_space<vmem>>, vector<1x1024xf32>
    %jit3A_65 = arith.constant 1.000000e+09 : f32
    %broadcast_in_dim3A_66 = vector.shape_cast %get3A_64 : vector<1x1024xf32> to vector<1x1024xf32>
    %broadcast_in_dim3A_67 = vector.broadcast %broadcast_in_dim3A_66 : vector<1x1024xf32> to vector<1024x1024xf32>
    %broadcast_in_dim3A_68 = vector.broadcast %jit3A_65 : f32 to vector<1024x1024xf32>
    %select_n3A_69 = arith.select %eq3A_61, %broadcast_in_dim3A_67, %broadcast_in_dim3A_68 : vector<1024x1024xi1>, vector<1024x1024xf32>
    %reduce_min3A_70 = arith.constant dense<0x7F800000> : vector<1024xf32>
    %reduce_min3A_71 = vector.multi_reduction <minimumf>, %select_n3A_69, %reduce_min3A_70 [1] : vector<1024x1024xf32> to vector<1024xf32>
    %broadcast_in_dim3A_72 = vector.shape_cast %reduce_min3A_71 : vector<1024xf32> to vector<1024x1xf32>
    %lt3A_73 = arith.cmpf olt, %broadcast_in_dim3A_59, %select_n3A_46 : vector<1024x1xf32>
    %select_n3A_74 = arith.select %lt3A_73, %broadcast_in_dim3A_72, %select_n3A_45 : vector<1024x1xi1>, vector<1024x1xf32>
    %select_n3A_75 = arith.select %lt3A_73, %broadcast_in_dim3A_59, %select_n3A_46 : vector<1024x1xi1>, vector<1024x1xf32>
    %get3A_76 = arith.constant 0 : index
    %get3A_77 = arith.constant 2048 : index
    %get3A_78 = vector.load %arg2[%get3A_76, %get3A_77] : memref<256x8192xbf16, #tpu.memory_space<vmem>>, vector<256x1024xbf16>
    %dot_general3A_79 = arith.constant dense<0.000000e+00> : vector<1024x1024xf32>
    %dot_general3A_80 = tpu.matmul %convert_element_type3A_19, %get3A_78, %dot_general3A_79 {dimension_numbers = #tpu.dot_dimension_numbers<[1], [0], [0], [1], [0, 0, 1, 1], [], []>, transpose_lhs_hint = false} : vector<1024x256xbf16>, vector<256x1024xbf16>, vector<1024x1024xf32> -> vector<1024x1024xf32>
    %get3A_81 = arith.constant 0 : index
    %get3A_82 = arith.constant 2048 : index
    %get3A_83 = vector.load %arg8[%get3A_81, %get3A_82] : memref<1x8192xf32, #tpu.memory_space<vmem>>, vector<1x1024xf32>
    %add3A_84 = vector.broadcast %get3A_83 : vector<1x1024xf32> to vector<1024x1024xf32>
    %add3A_85 = arith.addf %dot_general3A_80, %add3A_84 : vector<1024x1024xf32>
    %reduce_min3A_86 = arith.constant dense<0x7F800000> : vector<1024xf32>
    %reduce_min3A_87 = vector.multi_reduction <minimumf>, %add3A_85, %reduce_min3A_86 [1] : vector<1024x1024xf32> to vector<1024xf32>
    %broadcast_in_dim3A_88 = vector.shape_cast %reduce_min3A_87 : vector<1024xf32> to vector<1024x1xf32>
    %eq3A_89 = vector.broadcast %broadcast_in_dim3A_88 : vector<1024x1xf32> to vector<1024x1024xf32>
    %eq3A_90 = arith.cmpf oeq, %add3A_85, %eq3A_89 : vector<1024x1024xf32>
    %get3A_91 = arith.constant 0 : index
    %get3A_92 = arith.constant 2048 : index
    %get3A_93 = vector.load %arg9[%get3A_91, %get3A_92] : memref<1x8192xf32, #tpu.memory_space<vmem>>, vector<1x1024xf32>
    %jit3A_94 = arith.constant 1.000000e+09 : f32
    %broadcast_in_dim3A_95 = vector.shape_cast %get3A_93 : vector<1x1024xf32> to vector<1x1024xf32>
    %broadcast_in_dim3A_96 = vector.broadcast %broadcast_in_dim3A_95 : vector<1x1024xf32> to vector<1024x1024xf32>
    %broadcast_in_dim3A_97 = vector.broadcast %jit3A_94 : f32 to vector<1024x1024xf32>
    %select_n3A_98 = arith.select %eq3A_90, %broadcast_in_dim3A_96, %broadcast_in_dim3A_97 : vector<1024x1024xi1>, vector<1024x1024xf32>
    %reduce_min3A_99 = arith.constant dense<0x7F800000> : vector<1024xf32>
    %reduce_min3A_100 = vector.multi_reduction <minimumf>, %select_n3A_98, %reduce_min3A_99 [1] : vector<1024x1024xf32> to vector<1024xf32>
    %broadcast_in_dim3A_101 = vector.shape_cast %reduce_min3A_100 : vector<1024xf32> to vector<1024x1xf32>
    %lt3A_102 = arith.cmpf olt, %broadcast_in_dim3A_88, %select_n3A_75 : vector<1024x1xf32>
    %select_n3A_103 = arith.select %lt3A_102, %broadcast_in_dim3A_101, %select_n3A_74 : vector<1024x1xi1>, vector<1024x1xf32>
    %select_n3A_104 = arith.select %lt3A_102, %broadcast_in_dim3A_88, %select_n3A_75 : vector<1024x1xi1>, vector<1024x1xf32>
    %get3A_105 = arith.constant 0 : index
    %get3A_106 = arith.constant 3072 : index
    %get3A_107 = vector.load %arg2[%get3A_105, %get3A_106] : memref<256x8192xbf16, #tpu.memory_space<vmem>>, vector<256x1024xbf16>
    %dot_general3A_108 = arith.constant dense<0.000000e+00> : vector<1024x1024xf32>
    %dot_general3A_109 = tpu.matmul %convert_element_type3A_19, %get3A_107, %dot_general3A_108 {dimension_numbers = #tpu.dot_dimension_numbers<[1], [0], [0], [1], [0, 0, 1, 1], [], []>, transpose_lhs_hint = false} : vector<1024x256xbf16>, vector<256x1024xbf16>, vector<1024x1024xf32> -> vector<1024x1024xf32>
    %get3A_110 = arith.constant 0 : index
    %get3A_111 = arith.constant 3072 : index
    %get3A_112 = vector.load %arg8[%get3A_110, %get3A_111] : memref<1x8192xf32, #tpu.memory_space<vmem>>, vector<1x1024xf32>
    %add3A_113 = vector.broadcast %get3A_112 : vector<1x1024xf32> to vector<1024x1024xf32>
    %add3A_114 = arith.addf %dot_general3A_109, %add3A_113 : vector<1024x1024xf32>
    %reduce_min3A_115 = arith.constant dense<0x7F800000> : vector<1024xf32>
    %reduce_min3A_116 = vector.multi_reduction <minimumf>, %add3A_114, %reduce_min3A_115 [1] : vector<1024x1024xf32> to vector<1024xf32>
    %broadcast_in_dim3A_117 = vector.shape_cast %reduce_min3A_116 : vector<1024xf32> to vector<1024x1xf32>
    %eq3A_118 = vector.broadcast %broadcast_in_dim3A_117 : vector<1024x1xf32> to vector<1024x1024xf32>
    %eq3A_119 = arith.cmpf oeq, %add3A_114, %eq3A_118 : vector<1024x1024xf32>
    %get3A_120 = arith.constant 0 : index
    %get3A_121 = arith.constant 3072 : index
    %get3A_122 = vector.load %arg9[%get3A_120, %get3A_121] : memref<1x8192xf32, #tpu.memory_space<vmem>>, vector<1x1024xf32>
    %jit3A_123 = arith.constant 1.000000e+09 : f32
    %broadcast_in_dim3A_124 = vector.shape_cast %get3A_122 : vector<1x1024xf32> to vector<1x1024xf32>
    %broadcast_in_dim3A_125 = vector.broadcast %broadcast_in_dim3A_124 : vector<1x1024xf32> to vector<1024x1024xf32>
    %broadcast_in_dim3A_126 = vector.broadcast %jit3A_123 : f32 to vector<1024x1024xf32>
    %select_n3A_127 = arith.select %eq3A_119, %broadcast_in_dim3A_125, %broadcast_in_dim3A_126 : vector<1024x1024xi1>, vector<1024x1024xf32>
    %reduce_min3A_128 = arith.constant dense<0x7F800000> : vector<1024xf32>
    %reduce_min3A_129 = vector.multi_reduction <minimumf>, %select_n3A_127, %reduce_min3A_128 [1] : vector<1024x1024xf32> to vector<1024xf32>
    %broadcast_in_dim3A_130 = vector.shape_cast %reduce_min3A_129 : vector<1024xf32> to vector<1024x1xf32>
    %lt3A_131 = arith.cmpf olt, %broadcast_in_dim3A_117, %select_n3A_104 : vector<1024x1xf32>
    %select_n3A_132 = arith.select %lt3A_131, %broadcast_in_dim3A_130, %select_n3A_103 : vector<1024x1xi1>, vector<1024x1xf32>
    %select_n3A_133 = arith.select %lt3A_131, %broadcast_in_dim3A_117, %select_n3A_104 : vector<1024x1xi1>, vector<1024x1xf32>
    %get3A_134 = arith.constant 0 : index
    %get3A_135 = arith.constant 4096 : index
    %get3A_136 = vector.load %arg2[%get3A_134, %get3A_135] : memref<256x8192xbf16, #tpu.memory_space<vmem>>, vector<256x1024xbf16>
    %dot_general3A_137 = arith.constant dense<0.000000e+00> : vector<1024x1024xf32>
    %dot_general3A_138 = tpu.matmul %convert_element_type3A_19, %get3A_136, %dot_general3A_137 {dimension_numbers = #tpu.dot_dimension_numbers<[1], [0], [0], [1], [0, 0, 1, 1], [], []>, transpose_lhs_hint = false} : vector<1024x256xbf16>, vector<256x1024xbf16>, vector<1024x1024xf32> -> vector<1024x1024xf32>
    %get3A_139 = arith.constant 0 : index
    %get3A_140 = arith.constant 4096 : index
    %get3A_141 = vector.load %arg8[%get3A_139, %get3A_140] : memref<1x8192xf32, #tpu.memory_space<vmem>>, vector<1x1024xf32>
    %add3A_142 = vector.broadcast %get3A_141 : vector<1x1024xf32> to vector<1024x1024xf32>
    %add3A_143 = arith.addf %dot_general3A_138, %add3A_142 : vector<1024x1024xf32>
    %reduce_min3A_144 = arith.constant dense<0x7F800000> : vector<1024xf32>
    %reduce_min3A_145 = vector.multi_reduction <minimumf>, %add3A_143, %reduce_min3A_144 [1] : vector<1024x1024xf32> to vector<1024xf32>
    %broadcast_in_dim3A_146 = vector.shape_cast %reduce_min3A_145 : vector<1024xf32> to vector<1024x1xf32>
    %eq3A_147 = vector.broadcast %broadcast_in_dim3A_146 : vector<1024x1xf32> to vector<1024x1024xf32>
    %eq3A_148 = arith.cmpf oeq, %add3A_143, %eq3A_147 : vector<1024x1024xf32>
    %get3A_149 = arith.constant 0 : index
    %get3A_150 = arith.constant 4096 : index
    %get3A_151 = vector.load %arg9[%get3A_149, %get3A_150] : memref<1x8192xf32, #tpu.memory_space<vmem>>, vector<1x1024xf32>
    %jit3A_152 = arith.constant 1.000000e+09 : f32
    %broadcast_in_dim3A_153 = vector.shape_cast %get3A_151 : vector<1x1024xf32> to vector<1x1024xf32>
    %broadcast_in_dim3A_154 = vector.broadcast %broadcast_in_dim3A_153 : vector<1x1024xf32> to vector<1024x1024xf32>
    %broadcast_in_dim3A_155 = vector.broadcast %jit3A_152 : f32 to vector<1024x1024xf32>
    %select_n3A_156 = arith.select %eq3A_148, %broadcast_in_dim3A_154, %broadcast_in_dim3A_155 : vector<1024x1024xi1>, vector<1024x1024xf32>
    %reduce_min3A_157 = arith.constant dense<0x7F800000> : vector<1024xf32>
    %reduce_min3A_158 = vector.multi_reduction <minimumf>, %select_n3A_156, %reduce_min3A_157 [1] : vector<1024x1024xf32> to vector<1024xf32>
    %broadcast_in_dim3A_159 = vector.shape_cast %reduce_min3A_158 : vector<1024xf32> to vector<1024x1xf32>
    %lt3A_160 = arith.cmpf olt, %broadcast_in_dim3A_146, %select_n3A_133 : vector<1024x1xf32>
    %select_n3A_161 = arith.select %lt3A_160, %broadcast_in_dim3A_159, %select_n3A_132 : vector<1024x1xi1>, vector<1024x1xf32>
    %select_n3A_162 = arith.select %lt3A_160, %broadcast_in_dim3A_146, %select_n3A_133 : vector<1024x1xi1>, vector<1024x1xf32>
    %get3A_163 = arith.constant 0 : index
    %get3A_164 = arith.constant 5120 : index
    %get3A_165 = vector.load %arg2[%get3A_163, %get3A_164] : memref<256x8192xbf16, #tpu.memory_space<vmem>>, vector<256x1024xbf16>
    %dot_general3A_166 = arith.constant dense<0.000000e+00> : vector<1024x1024xf32>
    %dot_general3A_167 = tpu.matmul %convert_element_type3A_19, %get3A_165, %dot_general3A_166 {dimension_numbers = #tpu.dot_dimension_numbers<[1], [0], [0], [1], [0, 0, 1, 1], [], []>, transpose_lhs_hint = false} : vector<1024x256xbf16>, vector<256x1024xbf16>, vector<1024x1024xf32> -> vector<1024x1024xf32>
    %get3A_168 = arith.constant 0 : index
    %get3A_169 = arith.constant 5120 : index
    %get3A_170 = vector.load %arg8[%get3A_168, %get3A_169] : memref<1x8192xf32, #tpu.memory_space<vmem>>, vector<1x1024xf32>
    %add3A_171 = vector.broadcast %get3A_170 : vector<1x1024xf32> to vector<1024x1024xf32>
    %add3A_172 = arith.addf %dot_general3A_167, %add3A_171 : vector<1024x1024xf32>
    %reduce_min3A_173 = arith.constant dense<0x7F800000> : vector<1024xf32>
    %reduce_min3A_174 = vector.multi_reduction <minimumf>, %add3A_172, %reduce_min3A_173 [1] : vector<1024x1024xf32> to vector<1024xf32>
    %broadcast_in_dim3A_175 = vector.shape_cast %reduce_min3A_174 : vector<1024xf32> to vector<1024x1xf32>
    %eq3A_176 = vector.broadcast %broadcast_in_dim3A_175 : vector<1024x1xf32> to vector<1024x1024xf32>
    %eq3A_177 = arith.cmpf oeq, %add3A_172, %eq3A_176 : vector<1024x1024xf32>
    %get3A_178 = arith.constant 0 : index
    %get3A_179 = arith.constant 5120 : index
    %get3A_180 = vector.load %arg9[%get3A_178, %get3A_179] : memref<1x8192xf32, #tpu.memory_space<vmem>>, vector<1x1024xf32>
    %jit3A_181 = arith.constant 1.000000e+09 : f32
    %broadcast_in_dim3A_182 = vector.shape_cast %get3A_180 : vector<1x1024xf32> to vector<1x1024xf32>
    %broadcast_in_dim3A_183 = vector.broadcast %broadcast_in_dim3A_182 : vector<1x1024xf32> to vector<1024x1024xf32>
    %broadcast_in_dim3A_184 = vector.broadcast %jit3A_181 : f32 to vector<1024x1024xf32>
    %select_n3A_185 = arith.select %eq3A_177, %broadcast_in_dim3A_183, %broadcast_in_dim3A_184 : vector<1024x1024xi1>, vector<1024x1024xf32>
    %reduce_min3A_186 = arith.constant dense<0x7F800000> : vector<1024xf32>
    %reduce_min3A_187 = vector.multi_reduction <minimumf>, %select_n3A_185, %reduce_min3A_186 [1] : vector<1024x1024xf32> to vector<1024xf32>
    %broadcast_in_dim3A_188 = vector.shape_cast %reduce_min3A_187 : vector<1024xf32> to vector<1024x1xf32>
    %lt3A_189 = arith.cmpf olt, %broadcast_in_dim3A_175, %select_n3A_162 : vector<1024x1xf32>
    %select_n3A_190 = arith.select %lt3A_189, %broadcast_in_dim3A_188, %select_n3A_161 : vector<1024x1xi1>, vector<1024x1xf32>
    %select_n3A_191 = arith.select %lt3A_189, %broadcast_in_dim3A_175, %select_n3A_162 : vector<1024x1xi1>, vector<1024x1xf32>
    %get3A_192 = arith.constant 0 : index
    %get3A_193 = arith.constant 6144 : index
    %get3A_194 = vector.load %arg2[%get3A_192, %get3A_193] : memref<256x8192xbf16, #tpu.memory_space<vmem>>, vector<256x1024xbf16>
    %dot_general3A_195 = arith.constant dense<0.000000e+00> : vector<1024x1024xf32>
    %dot_general3A_196 = tpu.matmul %convert_element_type3A_19, %get3A_194, %dot_general3A_195 {dimension_numbers = #tpu.dot_dimension_numbers<[1], [0], [0], [1], [0, 0, 1, 1], [], []>, transpose_lhs_hint = false} : vector<1024x256xbf16>, vector<256x1024xbf16>, vector<1024x1024xf32> -> vector<1024x1024xf32>
    %get3A_197 = arith.constant 0 : index
    %get3A_198 = arith.constant 6144 : index
    %get3A_199 = vector.load %arg8[%get3A_197, %get3A_198] : memref<1x8192xf32, #tpu.memory_space<vmem>>, vector<1x1024xf32>
    %add3A_200 = vector.broadcast %get3A_199 : vector<1x1024xf32> to vector<1024x1024xf32>
    %add3A_201 = arith.addf %dot_general3A_196, %add3A_200 : vector<1024x1024xf32>
    %reduce_min3A_202 = arith.constant dense<0x7F800000> : vector<1024xf32>
    %reduce_min3A_203 = vector.multi_reduction <minimumf>, %add3A_201, %reduce_min3A_202 [1] : vector<1024x1024xf32> to vector<1024xf32>
    %broadcast_in_dim3A_204 = vector.shape_cast %reduce_min3A_203 : vector<1024xf32> to vector<1024x1xf32>
    %eq3A_205 = vector.broadcast %broadcast_in_dim3A_204 : vector<1024x1xf32> to vector<1024x1024xf32>
    %eq3A_206 = arith.cmpf oeq, %add3A_201, %eq3A_205 : vector<1024x1024xf32>
    %get3A_207 = arith.constant 0 : index
    %get3A_208 = arith.constant 6144 : index
    %get3A_209 = vector.load %arg9[%get3A_207, %get3A_208] : memref<1x8192xf32, #tpu.memory_space<vmem>>, vector<1x1024xf32>
    %jit3A_210 = arith.constant 1.000000e+09 : f32
    %broadcast_in_dim3A_211 = vector.shape_cast %get3A_209 : vector<1x1024xf32> to vector<1x1024xf32>
    %broadcast_in_dim3A_212 = vector.broadcast %broadcast_in_dim3A_211 : vector<1x1024xf32> to vector<1024x1024xf32>
    %broadcast_in_dim3A_213 = vector.broadcast %jit3A_210 : f32 to vector<1024x1024xf32>
    %select_n3A_214 = arith.select %eq3A_206, %broadcast_in_dim3A_212, %broadcast_in_dim3A_213 : vector<1024x1024xi1>, vector<1024x1024xf32>
    %reduce_min3A_215 = arith.constant dense<0x7F800000> : vector<1024xf32>
    %reduce_min3A_216 = vector.multi_reduction <minimumf>, %select_n3A_214, %reduce_min3A_215 [1] : vector<1024x1024xf32> to vector<1024xf32>
    %broadcast_in_dim3A_217 = vector.shape_cast %reduce_min3A_216 : vector<1024xf32> to vector<1024x1xf32>
    %lt3A_218 = arith.cmpf olt, %broadcast_in_dim3A_204, %select_n3A_191 : vector<1024x1xf32>
    %select_n3A_219 = arith.select %lt3A_218, %broadcast_in_dim3A_217, %select_n3A_190 : vector<1024x1xi1>, vector<1024x1xf32>
    %select_n3A_220 = arith.select %lt3A_218, %broadcast_in_dim3A_204, %select_n3A_191 : vector<1024x1xi1>, vector<1024x1xf32>
    %get3A_221 = arith.constant 0 : index
    %get3A_222 = arith.constant 7168 : index
    %get3A_223 = vector.load %arg2[%get3A_221, %get3A_222] : memref<256x8192xbf16, #tpu.memory_space<vmem>>, vector<256x1024xbf16>
    %dot_general3A_224 = arith.constant dense<0.000000e+00> : vector<1024x1024xf32>
    %dot_general3A_225 = tpu.matmul %convert_element_type3A_19, %get3A_223, %dot_general3A_224 {dimension_numbers = #tpu.dot_dimension_numbers<[1], [0], [0], [1], [0, 0, 1, 1], [], []>, transpose_lhs_hint = false} : vector<1024x256xbf16>, vector<256x1024xbf16>, vector<1024x1024xf32> -> vector<1024x1024xf32>
    %get3A_226 = arith.constant 0 : index
    %get3A_227 = arith.constant 7168 : index
    %get3A_228 = vector.load %arg8[%get3A_226, %get3A_227] : memref<1x8192xf32, #tpu.memory_space<vmem>>, vector<1x1024xf32>
    %add3A_229 = vector.broadcast %get3A_228 : vector<1x1024xf32> to vector<1024x1024xf32>
    %add3A_230 = arith.addf %dot_general3A_225, %add3A_229 : vector<1024x1024xf32>
    %reduce_min3A_231 = arith.constant dense<0x7F800000> : vector<1024xf32>
    %reduce_min3A_232 = vector.multi_reduction <minimumf>, %add3A_230, %reduce_min3A_231 [1] : vector<1024x1024xf32> to vector<1024xf32>
    %broadcast_in_dim3A_233 = vector.shape_cast %reduce_min3A_232 : vector<1024xf32> to vector<1024x1xf32>
    %eq3A_234 = vector.broadcast %broadcast_in_dim3A_233 : vector<1024x1xf32> to vector<1024x1024xf32>
    %eq3A_235 = arith.cmpf oeq, %add3A_230, %eq3A_234 : vector<1024x1024xf32>
    %get3A_236 = arith.constant 0 : index
    %get3A_237 = arith.constant 7168 : index
    %get3A_238 = vector.load %arg9[%get3A_236, %get3A_237] : memref<1x8192xf32, #tpu.memory_space<vmem>>, vector<1x1024xf32>
    %jit3A_239 = arith.constant 1.000000e+09 : f32
    %broadcast_in_dim3A_240 = vector.shape_cast %get3A_238 : vector<1x1024xf32> to vector<1x1024xf32>
    %broadcast_in_dim3A_241 = vector.broadcast %broadcast_in_dim3A_240 : vector<1x1024xf32> to vector<1024x1024xf32>
    %broadcast_in_dim3A_242 = vector.broadcast %jit3A_239 : f32 to vector<1024x1024xf32>
    %select_n3A_243 = arith.select %eq3A_235, %broadcast_in_dim3A_241, %broadcast_in_dim3A_242 : vector<1024x1024xi1>, vector<1024x1024xf32>
    %reduce_min3A_244 = arith.constant dense<0x7F800000> : vector<1024xf32>
    %reduce_min3A_245 = vector.multi_reduction <minimumf>, %select_n3A_243, %reduce_min3A_244 [1] : vector<1024x1024xf32> to vector<1024xf32>
    %broadcast_in_dim3A_246 = vector.shape_cast %reduce_min3A_245 : vector<1024xf32> to vector<1024x1xf32>
    %lt3A_247 = arith.cmpf olt, %broadcast_in_dim3A_233, %select_n3A_220 : vector<1024x1xf32>
    %select_n3A_248 = arith.select %lt3A_247, %broadcast_in_dim3A_246, %select_n3A_219 : vector<1024x1xi1>, vector<1024x1xf32>
    %convert_element_type3A_249 = arith.fptosi %select_n3A_248 : vector<1024x1xf32> to vector<1024x1xi32>
    %lt3A_250 = arith.constant 4096 : i32
    %lt3A_251 = vector.broadcast %lt3A_250 : i32 to vector<1024x1xi32>
    %lt3A_252 = arith.cmpi slt, %convert_element_type3A_249, %lt3A_251 : vector<1024x1xi32>
    %jit3A_253 = arith.constant 4096 : i32
    %broadcast_in_dim3A_254 = vector.broadcast %jit3A_253 : i32 to vector<1024x1xi32>
    %select_n3A_255 = arith.select %lt3A_252, %convert_element_type3A_249, %broadcast_in_dim3A_254 : vector<1024x1xi1>, vector<1024x1xi32>
    %swap3A_256 = arith.constant 0 : index
    %swap3A_257 = arith.constant 0 : index
    %swap3A_258 = vector.load %arg6[%swap3A_256, %swap3A_257] : memref<1024x1xi32, #tpu.memory_space<vmem>>, vector<1024x1xi32>
    tpu.vector_store %arg6[%swap3A_256, %swap3A_257], %select_n3A_255 {strides = array<i32>} : memref<1024x1xi32, #tpu.memory_space<vmem>>, vector<1024x1xi32>,
    %sub3A_259 = arith.constant 4096 : i32
    %sub3A_260 = vector.broadcast %sub3A_259 : i32 to vector<1024x1xi32>
    %sub3A_261 = arith.subi %convert_element_type3A_249, %sub3A_260 : vector<1024x1xi32>
    %jit3A_262 = arith.constant 4096 : i32
    %broadcast_in_dim3A_263 = vector.broadcast %jit3A_262 : i32 to vector<1024x1xi32>
    %select_n3A_264 = arith.select %lt3A_252, %broadcast_in_dim3A_263, %sub3A_261 : vector<1024x1xi1>, vector<1024x1xi32>
    %swap3A_265 = arith.constant 0 : index
    %swap3A_266 = arith.constant 0 : index
    %swap3A_267 = vector.load %arg7[%swap3A_265, %swap3A_266] : memref<1024x1xi32, #tpu.memory_space<vmem>>, vector<1024x1xi32>
    tpu.vector_store %arg7[%swap3A_265, %swap3A_266], %select_n3A_264 {strides = array<i32>} : memref<1024x1xi32, #tpu.memory_space<vmem>>, vector<1024x1xi32>,
    return
  }
  func.func @transform_0(%arg0: i32) -> (i32, i32) {
    %c0_i32 = arith.constant 0 : i32
    %c0_i32_0 = arith.constant 0 : i32
    return %arg0, %c0_i32 : i32, i32
  }
  func.func @transform_1(%arg0: i32) -> (i32, i32) {
    %c0_i32 = arith.constant 0 : i32
    %c0_i32_0 = arith.constant 0 : i32
    %c0_i32_1 = arith.constant 0 : i32
    return %c0_i32, %c0_i32_0 : i32, i32
  }
  func.func @transform_2(%arg0: i32) -> (i32, i32) {
    %c0_i32 = arith.constant 0 : i32
    %c0_i32_0 = arith.constant 0 : i32
    %c0_i32_1 = arith.constant 0 : i32
    return %c0_i32, %c0_i32_0 : i32, i32
  }
  func.func @transform_3(%arg0: i32) -> (i32, i32) {
    %c0_i32 = arith.constant 0 : i32
    %c0_i32_0 = arith.constant 0 : i32
    %c0_i32_1 = arith.constant 0 : i32
    return %c0_i32, %c0_i32_0 : i32, i32
  }
  func.func @transform_4(%arg0: i32) -> (i32, i32) {
    %c0_i32 = arith.constant 0 : i32
    %c0_i32_0 = arith.constant 0 : i32
    return %arg0, %c0_i32 : i32, i32
  }
  func.func @transform_5(%arg0: i32) -> (i32, i32) {
    %c0_i32 = arith.constant 0 : i32
    %c0_i32_0 = arith.constant 0 : i32
    return %arg0, %c0_i32 : i32, i32
  }
  func.func @transform_6(%arg0: i32) -> (i32, i32) {
    %c0_i32 = arith.constant 0 : i32
    %c0_i32_0 = arith.constant 0 : i32
    return %arg0, %c0_i32 : i32, i32
  }
}

module attributes {stable_mosaic.version = 14 : i64} {
  func.func @_finalize_body(%arg0: i32, %arg1: memref<1024x256xf32, #tpu.memory_space<vmem>>, %arg2: memref<1024x256xf32, #tpu.memory_space<vmem>>, %arg3: memref<1024x256xf32, #tpu.memory_space<vmem>>, %arg4: memref<1024x1xf32, #tpu.memory_space<vmem>>, %arg5: memref<1024x1xf32, #tpu.memory_space<vmem>>, %arg6: memref<1024x1xf32, #tpu.memory_space<vmem>>, %arg7: memref<1x256xf32, #tpu.memory_space<vmem>>, %arg8: memref<1x256xf32, #tpu.memory_space<vmem>>, %arg9: memref<1024x256xf32, #tpu.memory_space<vmem>>) attributes {dimension_semantics = [#tpu.dimension_semantics<arbitrary>], iteration_bounds = array<i64: 8>, scalar_prefetch = 0 : i64, scratch_operands = 0 : i64, tpu.core_type = #tpu.core_type<tc>, window_params = [{transform_indices = @transform_0, window_bounds = array<i64: 1024, 256>}, {transform_indices = @transform_1, window_bounds = array<i64: 1024, 256>}, {transform_indices = @transform_2, window_bounds = array<i64: 1024, 256>}, {transform_indices = @transform_3, window_bounds = array<i64: 1024, 1>}, {transform_indices = @transform_4, window_bounds = array<i64: 1024, 1>}, {transform_indices = @transform_5, window_bounds = array<i64: 1024, 1>}, {pipeline_mode = #tpu.pipeline_mode<synchronous>, transform_indices = @transform_6, window_bounds = array<i64: 1, 256>}, {pipeline_mode = #tpu.pipeline_mode<synchronous>, transform_indices = @transform_7, window_bounds = array<i64: 1, 256>}, {transform_indices = @transform_8, window_bounds = array<i64: 1024, 256>}]} {
    %get3A = arith.constant 0 : index
    %get3A_0 = arith.constant 0 : index
    %get3A_1 = vector.load %arg4[%get3A, %get3A_0] : memref<1024x1xf32, #tpu.memory_space<vmem>>, vector<1024x1xf32>
    %get3A_2 = arith.constant 0 : index
    %get3A_3 = arith.constant 0 : index
    %get3A_4 = vector.load %arg2[%get3A_2, %get3A_3] : memref<1024x256xf32, #tpu.memory_space<vmem>>, vector<1024x256xf32>
    %get3A_5 = arith.constant 0 : index
    %get3A_6 = arith.constant 0 : index
    %get3A_7 = vector.load %arg3[%get3A_5, %get3A_6] : memref<1024x256xf32, #tpu.memory_space<vmem>>, vector<1024x256xf32>
    %add3A = arith.addf %get3A_4, %get3A_7 : vector<1024x256xf32>
    %get3A_8 = arith.constant 0 : index
    %get3A_9 = arith.constant 0 : index
    %get3A_10 = vector.load %arg5[%get3A_8, %get3A_9] : memref<1024x1xf32, #tpu.memory_space<vmem>>, vector<1024x1xf32>
    %get3A_11 = arith.constant 0 : index
    %get3A_12 = arith.constant 0 : index
    %get3A_13 = vector.load %arg6[%get3A_11, %get3A_12] : memref<1024x1xf32, #tpu.memory_space<vmem>>, vector<1024x1xf32>
    %add3A_14 = arith.addf %get3A_10, %get3A_13 : vector<1024x1xf32>
    %get3A_15 = arith.constant 0 : index
    %get3A_16 = arith.constant 0 : index
    %get3A_17 = vector.load %arg1[%get3A_15, %get3A_16] : memref<1024x256xf32, #tpu.memory_space<vmem>>, vector<1024x256xf32>
    %mul3A = vector.broadcast %get3A_1 : vector<1024x1xf32> to vector<1024x256xf32>
    %mul3A_18 = arith.mulf %mul3A, %get3A_17 : vector<1024x256xf32>
    %mul3A_19 = arith.constant 9.900000e-01 : f32
    %mul3A_20 = vector.broadcast %mul3A_19 : f32 to vector<1024x256xf32>
    %mul3A_21 = arith.mulf %mul3A_18, %mul3A_20 : vector<1024x256xf32>
    %mul3A_22 = arith.constant 0.00999999977 : f32
    %mul3A_23 = vector.broadcast %mul3A_22 : f32 to vector<1024x256xf32>
    %mul3A_24 = arith.mulf %mul3A_23, %add3A : vector<1024x256xf32>
    %add3A_25 = arith.addf %mul3A_21, %mul3A_24 : vector<1024x256xf32>
    %mul3A_26 = arith.constant 9.900000e-01 : f32
    %mul3A_27 = vector.broadcast %mul3A_26 : f32 to vector<1024x1xf32>
    %mul3A_28 = arith.mulf %get3A_1, %mul3A_27 : vector<1024x1xf32>
    %mul3A_29 = arith.constant 0.00999999977 : f32
    %mul3A_30 = vector.broadcast %mul3A_29 : f32 to vector<1024x1xf32>
    %mul3A_31 = arith.mulf %mul3A_30, %add3A_14 : vector<1024x1xf32>
    %add3A_32 = arith.addf %mul3A_28, %mul3A_31 : vector<1024x1xf32>
    %get3A_33 = arith.constant 0 : index
    %get3A_34 = arith.constant 0 : index
    %get3A_35 = vector.load %arg8[%get3A_33, %get3A_34] : memref<1x256xf32, #tpu.memory_space<vmem>>, vector<1x256xf32>
    %mul3A_36 = arith.constant 1.00006104 : f32
    %mul3A_37 = vector.broadcast %mul3A_36 : f32 to vector<1x256xf32>
    %mul3A_38 = arith.mulf %get3A_35, %mul3A_37 : vector<1x256xf32>
    %add3A_39 = arith.constant 9.99999974E-6 : f32
    %add3A_40 = vector.broadcast %add3A_39 : f32 to vector<1x256xf32>
    %add3A_41 = arith.addf %mul3A_38, %add3A_40 : vector<1x256xf32>
    %sqrt3A = math.sqrt %add3A_41 : vector<1x256xf32>
    %div3A = vector.broadcast %add3A_32 : vector<1024x1xf32> to vector<1024x256xf32>
    %div3A_42 = arith.divf %add3A_25, %div3A : vector<1024x256xf32>
    %mul3A_43 = vector.broadcast %sqrt3A : vector<1x256xf32> to vector<1024x256xf32>
    %mul3A_44 = arith.mulf %div3A_42, %mul3A_43 : vector<1024x256xf32>
    %get3A_45 = arith.constant 0 : index
    %get3A_46 = arith.constant 0 : index
    %get3A_47 = vector.load %arg7[%get3A_45, %get3A_46] : memref<1x256xf32, #tpu.memory_space<vmem>>, vector<1x256xf32>
    %add3A_48 = vector.broadcast %get3A_47 : vector<1x256xf32> to vector<1024x256xf32>
    %add3A_49 = arith.addf %mul3A_44, %add3A_48 : vector<1024x256xf32>
    %swap3A = arith.constant 0 : index
    %swap3A_50 = arith.constant 0 : index
    %swap3A_51 = vector.load %arg9[%swap3A, %swap3A_50] : memref<1024x256xf32, #tpu.memory_space<vmem>>, vector<1024x256xf32>
    tpu.vector_store %arg9[%swap3A, %swap3A_50], %add3A_49 {strides = array<i32>} : memref<1024x256xf32, #tpu.memory_space<vmem>>, vector<1024x256xf32>,
    return
  }
  func.func @transform_0(%arg0: i32) -> (i32, i32) {
    %c0_i32 = arith.constant 0 : i32
    %c0_i32_0 = arith.constant 0 : i32
    return %arg0, %c0_i32 : i32, i32
  }
  func.func @transform_1(%arg0: i32) -> (i32, i32) {
    %c0_i32 = arith.constant 0 : i32
    %c0_i32_0 = arith.constant 0 : i32
    return %arg0, %c0_i32 : i32, i32
  }
  func.func @transform_2(%arg0: i32) -> (i32, i32) {
    %c0_i32 = arith.constant 0 : i32
    %c0_i32_0 = arith.constant 0 : i32
    return %arg0, %c0_i32 : i32, i32
  }
  func.func @transform_3(%arg0: i32) -> (i32, i32) {
    %c0_i32 = arith.constant 0 : i32
    %c0_i32_0 = arith.constant 0 : i32
    return %arg0, %c0_i32 : i32, i32
  }
  func.func @transform_4(%arg0: i32) -> (i32, i32) {
    %c0_i32 = arith.constant 0 : i32
    %c0_i32_0 = arith.constant 0 : i32
    return %arg0, %c0_i32 : i32, i32
  }
  func.func @transform_5(%arg0: i32) -> (i32, i32) {
    %c0_i32 = arith.constant 0 : i32
    %c0_i32_0 = arith.constant 0 : i32
    return %arg0, %c0_i32 : i32, i32
  }
  func.func @transform_6(%arg0: i32) -> (i32, i32) {
    %c0_i32 = arith.constant 0 : i32
    %c0_i32_0 = arith.constant 0 : i32
    %c0_i32_1 = arith.constant 0 : i32
    return %c0_i32, %c0_i32_0 : i32, i32
  }
  func.func @transform_7(%arg0: i32) -> (i32, i32) {
    %c0_i32 = arith.constant 0 : i32
    %c0_i32_0 = arith.constant 0 : i32
    %c0_i32_1 = arith.constant 0 : i32
    return %c0_i32, %c0_i32_0 : i32, i32
  }
  func.func @transform_8(%arg0: i32) -> (i32, i32) {
    %c0_i32 = arith.constant 0 : i32
    %c0_i32_0 = arith.constant 0 : i32
    return %arg0, %c0_i32 : i32, i32
  }
}

</mosaic_0001>

<sc_bundles>
// kernel: kernel.11.cloned.1.call-start
scs
__scs_entry_jumppad:
0x0: {  	(pc) =	sbr.rel $0x88, $3  }
0x1: {  	(tag) =	ssettag $0x0;
	lr =	simm.s32 $0x1  }
0x2: {  	[smem:$0x3F9E] =	sst lr;
	_ =	strace $0xD0000000  }
0x3: {  	_ = 	snop  }
0x4: {  	_ = 	snop  }
0x5: {  	_ = 	snop  }
0x6: {  	_ = 	snop  }
0x7: {  	_ = 	snop  }
__scs_overlays_trampoline_lowered:
0x8: {  	[smem:$0x3FAD] =	sst s0  }
0x9: {  	[smem:$0x3FAE] =	sst s1  }
0xa: {  	[smem:$0x3FAF] =	sst s2  }
0xb: {  	[smem:$0x3FB0] =	sst s3  }
0xc: {  	[smem:$0x3FB1] =	sst s4  }
0xd: {  	[smem:$0x3FB2] =	sst s5  }
0xe: {  	[smem:$0x3FB3] =	sst s6  }
0xf: {  	[smem:$0x3FB4] =	sst s7  }
0x10: {  	[smem:$0x3FB5] =	sst s8  }
0x11: {  	[smem:$0x3FB6] =	sst s9;
	s0 =	simm.s32 @!p0 $0x0  }
0x12: {  	s1 =	sld [smem:$0x3F9C];
	s0 =	simm.s32 @p0 $0x1  }
0x13: {  	[smem:$0x3FB7] =	sst s0;
	s0 =	simm.s32 @!p1 $0x0  }
0x14: {  	s2 =	sld [smem:$0x3F9B];
	s0 =	simm.s32 @p1 $0x1  }
0x15: {  	[smem:$0x3FB8] =	sst s0;
	s0 =	simm.s32 @!p2 $0x0  }
0x16: {  	s3 =	sld [smem:$0x3FDB];
	s0 =	simm.s32 @p2 $0x1  }
0x17: {  	s4 =	simm.s32 $0x1BF5;
	[smem:$0x3FBA] =	sst s0  }
0x18: {  	s0 =	sld [smem:$0x3F9D];
	_ =	swait.ge [sflag:s4], $0x0  }
0x19: {  	s7 =	sld [smem:$0x3F9E]  }
0x1a: {  	s8 =	sadd.s32 $0xFFFFE003, lr  }
0x1b: {  	s9 =	sadd.s32 $0xFFFFFEF7, lr;
	s5 =	simm.s32 $0xFFFFFFFF;
	p2 =	slt.u32 s8, $0xFFFFF086  }
0x1c: {  	p1 =	slt.u32 s9, $0xF7A;
	s5 =	simm.s32 @!p2 $0x0  }
0x1d: {  	s5 =	simm.s32 @p1 $0x1;
	p0 =	seq.s32 s7, s2  }
0x1e: {  	s7 =	smul.u32 @!p0 $0xF7A, s2;
	p2 =	seq.s32 @!p0 s5, $0x0  }
0x1f: {  	s9 =	smul.u32 $0xF7A, s1;
	s8 =	simm.s32 @!p0 $0x1BF5;
	p2 =	por !p2, p0  }
0x20: {  	[sflag:s8] =	ssyncset.s32 @!p0 $0xFFFFF086;
	s6 =	sadd.s32 @!p0 s3, s7;
	s7 =	simm.s32 @!p0 $0x108  }
0x21: {  	s3 =	sadd.s32 s3, s9;
	s6 =	sadd.s32 @!p0 $0x88, s6;
	s7 =	simm.s32 @p2 $0x1082  }
0x22: {  	[simem:s7], [sflag:s8] =	dma.local @!p0 [hbm:s6], $0xF7A  }
0x23: {  	s9 =	sor.u32 $0xD0000000, s2;
	s6 =	simm.s32 $0x108;
	_ =	swait.ge @!p0 [sflag:s8], $0x0  }
0x24: {  	s3 =	sadd.s32 $0x88, s3;
	s6 =	simm.s32 @!p1 $0x1082;
	[sflag:s4] =	ssyncset.s32 $0xFFFFF086  }
0x25: {  	[simem:s6], [sflag:s4] =	dma.local [hbm:s3], $0xF7A  }
0x26: {  	[smem:$0x3F9E] =	sst s1;
	(tag) =	ssettag s2;
	_ =	strace s9  }
0x27: {  	s1 =	sld [smem:$0x3FAE]  }
0x28: {  	s2 =	sld [smem:$0x3FAF]  }
0x29: {  	s4 =	sld [smem:$0x3FB1]  }
0x2a: {  	p0 =	seq.s32 s5, $0x0;
	s5 =	sld [smem:$0x3FB2]  }
0x2b: {  	s6 =	sld [smem:$0x3FB3]  }
0x2c: {  	s7 =	sld [smem:$0x3FB4]  }
0x2d: {  	s3 =	simm.s32 $0x108;
	s8 =	sld [smem:$0x3FB5]  }
0x2e: {  	s3 =	simm.s32 @!p0 $0x1082;
	s9 =	sld [smem:$0x3FB6]  }
0x2f: {  	lr =	sadd.s32 s0, s3;
	s0 =	sld [smem:$0x3FAD]  }
0x30: {  	s3 =	sld [smem:$0x3FB0]  }
0x31: {  	[smem:$0x3FB9] =	sst s10  }
0x32: {  	s10 =	sld [smem:$0x3FB7];
	_ =	sdelay $0x3  }
0x33: {  	p0 =	seq.s32 s10, $0x1;
	s10 =	sld [smem:$0x3FB9];
	_ =	sdelay $0x3  }
0x34: {  	[smem:$0x3FB9] =	sst s10  }
0x35: {  	s10 =	sld [smem:$0x3FB8];
	_ =	sdelay $0x3  }
0x36: {  	p1 =	seq.s32 s10, $0x1;
	s10 =	sld [smem:$0x3FB9];
	_ =	sdelay $0x3  }
0x37: {  	[smem:$0x3FB9] =	sst s10  }
0x38: {  	s10 =	sld [smem:$0x3FBA]  }
0x39: {  	_ = 	snop;
	(pc) =	sbr.ind lr, $3  }
0x3a: {  	_ = 	snop  }
0x3b: {  	_ = 	snop  }
0x3c: {  	p2 =	seq.s32 s10, $0x1;
	s10 =	sld [smem:$0x3FB9]  }
0x3d: {  	_ =	shalt  }
0x3e: {  	_ =	shalt  }
0x3f: {  	_ =	shalt  }
0x40: {  	_ =	shalt  }
0x41: {  	_ =	shalt  }
0x42: {  	_ =	shalt  }
0x43: {  	_ =	shalt  }
0x44: {  	_ =	shalt  }
0x45: {  	_ =	shalt  }
0x46: {  	_ =	shalt  }
0x47: {  	_ =	shalt  }
0x48: {  	_ =	shalt  }
0x49: {  	_ =	shalt  }
0x4a: {  	_ =	shalt  }
0x4b: {  	_ =	shalt  }
0x4c: {  	_ =	shalt  }
0x4d: {  	_ =	shalt  }
0x4e: {  	_ =	shalt  }
0x4f: {  	_ =	shalt  }
0x50: {  	_ =	shalt  }
0x51: {  	_ =	shalt  }
0x52: {  	_ =	shalt  }
0x53: {  	_ =	shalt  }
0x54: {  	_ =	shalt  }
0x55: {  	_ =	shalt  }
0x56: {  	_ =	shalt  }
0x57: {  	_ =	shalt  }
0x58: {  	_ =	shalt  }
0x59: {  	_ =	shalt  }
0x5a: {  	_ =	shalt  }
0x5b: {  	_ =	shalt  }
0x5c: {  	_ =	shalt  }
0x5d: {  	_ =	shalt  }
0x5e: {  	_ =	shalt  }
0x5f: {  	_ =	shalt  }
0x60: {  	_ =	shalt  }
0x61: {  	_ =	shalt  }
0x62: {  	_ =	shalt  }
0x63: {  	_ =	shalt  }
0x64: {  	_ =	shalt  }
0x65: {  	_ =	shalt  }
0x66: {  	_ =	shalt  }
0x67: {  	_ =	shalt  }
0x68: {  	_ =	shalt  }
0x69: {  	_ =	shalt  }
0x6a: {  	_ =	shalt  }
0x6b: {  	_ =	shalt  }
0x6c: {  	_ =	shalt  }
0x6d: {  	_ =	shalt  }
0x6e: {  	_ =	shalt  }
0x6f: {  	_ =	shalt  }
0x70: {  	_ =	shalt  }
0x71: {  	_ =	shalt  }
0x72: {  	_ =	shalt  }
0x73: {  	_ =	shalt  }
0x74: {  	_ =	shalt  }
0x75: {  	_ =	shalt  }
0x76: {  	_ =	shalt  }
0x77: {  	_ =	shalt  }
0x78: {  	_ =	shalt  }
0x79: {  	_ =	shalt  }
0x7a: {  	_ =	shalt  }
0x7b: {  	_ =	shalt  }
0x7c: {  	_ =	shalt  }
0x7d: {  	_ =	shalt  }
0x7e: {  	_ =	shalt  }
0x7f: {  	_ =	shalt  }
0x80: {  	_ =	shalt  }
0x81: {  	_ =	shalt  }
0x82: {  	_ =	shalt  }
0x83: {  	_ =	shalt  }
0x84: {  	_ =	shalt  }
0x85: {  	_ =	shalt  }
0x86: {  	_ =	shalt  }
0x87: {  	_ =	shalt  }
.Lfunc_end0:
.L_simem_size_0:
called_computation.1_lowered:
.L_overlay_start_0:
0x88: {  	s2 =	sld [smem:$0x3FD9]  }
0x89: {  	s3 =	sld [smem:$0x3FFE];
	_ =	sdelay $0x1  }
0x8a: {  	s1 =	srdreg.scid  }
0x8b: {  	s0 =	sand.u32 $0x1, s1  }
0x8c: {  	s17 =	sshll.u32 s0, $0xA;
	s2 =	sadd.s32 s3, s2  }
0x8d: {  	s2 =	sadd.s32 s2, s17  }
0x8e: {  	[smem:$0x3FC5] =	sst s2  }
0x8f: {  	_ = 	snop  }
0x90: {  	s18 =	sld [smem:$0x3FD0];
	(tm) =	ssettm $0x1  }
0x91: {  	s19 =	sld [smem:$0x3FFB];
	_ =	sdelay $0x3  }
0x92: {  	_ =	strace s19  }
0x93: {  	s2 =	sld [smem:$0x3FFC];
	_ =	sdelay $0x3  }
0x94: {  	_ =	strace s2  }
0x95: {  	s2 =	sld [smem:$0x3FFD];
	_ =	sdelay $0x3  }
0x96: {  	_ =	strace s2  }
0x97: {  	_ =	strace $0x8FFFFFFF  }
0x98: {  	s20 =	sld [smem:$0x3FDB];
	_ =	sdelay $0x1  }
0x99: {  	s4 =	simm.s32 $_scs_section_size  }
0x9a: {  	s5 =	simm.s32 $_size__tile_overlayer_lowered;
	s6 =	simm.s32 $_tile_overlayer_lowered  }
0x9b: {  	s7 =	simm.s32 $0x1BFF;
	s21 =	sshll.u32 s6, $0x1;
	s4 =	sadd.s32 s4, s20  }
0x9c: {  	s22 =	simm.s32 $0x0;
	s5 =	sshll.u32 s5, $0x1;
	s6 =	sadd.s32 s21, s4  }
0x9d: {  	[timem:s22], [sflag:s7] =	dma.local [hbm:s6], s5  }
0x9e: {  	_ =	swait.ge [sflag:s7], s5  }
0x9f: {  	s5 =	ssub.s32 $0x0, s5;
	[sflag:s7] =	ssyncset.done $0x0  }
0xa0: {  	[sflag:s7] =	ssyncadd.s32 s5;
	_ =	sdelay $0x1  }
0xa1: {  	s23 =	simm.s32 $0x1B8B  }
0xa2: {  	_ =	swait.ge [sflag:s23], $0x1  }
0xa3: {  	[sflag:s23] =	ssyncset.done $0x0  }
0xa4: {  	[sflag:s23] =	ssyncadd.s32 $0xFFFFFFFF  }
0xa5: {  	s5 =	sld [smem:$0x0]  }
0xa6: {  	s6 =	sand.u32 $0xFFFFFFFE, s1  }
0xa7: {  	p0 =	sne.s32 s1, s6  }
0xa8: {  	s6 =	sshll.u32 @p0 s6, $0xE  }
0xa9: {  	s6 =	sadd.s32 @p0 $0x11B8D, s6;
	s7 =	sshll.u32 @p0 s5, $0x11  }
0xaa: {  	s6 =	sor.u32 @p0 s7, s6  }
0xab: {  	[sflag:s6] =	ssyncadd.remote.s32 @p0 $0x1;
	_ =	sdelay $0x1  }
0xac: {  	s6 =	simm.s32 @p0 $0x1B8D  }
0xad: {  	_ =	swait.eq @p0 [sflag:s6], $0x1  }
0xae: {  	[sflag:s6] =	ssyncadd.s32 @p0 $0xFFFFFFFF  }
0xaf: {  	s7 =	sshll.u32 @!p0 s1, $0xE  }
0xb0: {  	s7 =	sor.u32 @!p0 $0x4000, s7;
	s6 =	simm.s32 @!p0 $0x1B8D  }
0xb1: {  	s5 =	sshll.u32 @!p0 s5, $0x11;
	s7 =	sadd.s32 @!p0 $0x11B8D, s7;
	_ =	swait.eq @!p0 [sflag:s6], $0x1  }
0xb2: {  	s5 =	sor.u32 @!p0 s5, s7;
	[sflag:s6] =	ssyncadd.s32 @!p0 $0xFFFFFFFF  }
0xb3: {  	s25 =	simm.s32 $0x1B8E;
	s24 =	sld [smem:$0x3FFE];
	[sflag:s5] =	ssyncadd.remote.s32 @!p0 $0x1  }
0xb4: {  	s26 =	simm.s32 $execute0_lowered;
	[smem:$0x3FD2] =	sst s25  }
0xb5: {  	s6 =	sshll.u32 s26, $0x1;
	_ =	strace $0x80000049;
	[dreg:$0x1] =	wrdreg $0xFFFFFFFF  }
0xb6: {  	s28 =	simm.s32 $_size_execute0_lowered;
	s4 =	sadd.s32 s4, s6;
	[dreg:$0x0] =	wrdreg $0x0  }
0xb7: {  	s6 =	sshll.u32 s28, $0x1;
	[dreg:$0x2] =	wrdreg s4  }
0xb8: {  	[dreg:$0x3] =	wrdreg s6  }
0xb9: {  	[dreg:$0x4] =	wrdreg $0xC0  }
0xba: {  	_ =	task [dreg:s22], $0x5FFFF  }
0xbb: {  	[dreg:$0x1] =	wrdreg $0xFFFFFFFF  }
0xbc: {  	[dreg:$0x0] =	wrdreg $0x60  }
0xbd: {  	[dreg:$0x2] =	wrdreg s18  }
0xbe: {  	[dreg:$0x3] =	wrdreg s24  }
0xbf: {  	[dreg:$0x4] =	wrdreg $0x0  }
0xc0: {  	[dreg:$0x5] =	wrdreg $0x80400  }
0xc1: {  	[dreg:$0x6] =	wrdreg $0xA  }
0xc2: {  	_ =	task.clear_ibuf [dreg:s22], $0x7FFFF;
	_ =	strace $0x90000049  }
0xc3: {  	s29 =	simm.s32 $0xA;
	_ =	strace $0x8000004B  }
0xc4: {  	_ =	swait.ge [sflag:s29], $0x1  }
0xc5: {  	[sflag:s29] =	ssyncadd.s32 $0xFFFFFFFF  }
0xc6: {  	_ =	strace $0x9000004B  }
0xc7: {  	_ =	sfence  }
0xc8: {  	s30 =	sld [smem:$0x0];
	_ =	sdelay $0x2  }
0xc9: {  	s31 =	sshll.u32 s1, $0xD;
	s1 =	sshrl.u32 s1, $0x2  }
0xca: {  	s4 =	sand.u32 $0x4000, s31;
	s1 =	sadd.s32 s1, s30  }
0xcb: {  	s0 =	sor.u32 s4, s0;
	s1 =	sshll.u32 s1, $0x11  }
0xcc: {  	s0 =	sor.u32 s1, s0  }
0xcd: {  	s0 =	sadd.s32 $0x8F2B, s0  }
0xce: {  	[sflag:s0] =	ssyncadd.remote.s32 $0x1  }
0xcf: {  	_ =	sfence.sel $0xFFFF  }
0xd0: {  	[dreg:$0x0] =	wrdreg $0xFFFFFFFF;
	(pc) =	sbr.abs _section_cstart, $3  }
0xd1: {  	[dreg:$0x1] =	wrdreg $0xFFFFFFFF  }
0xd2: {  	_ =	task.clear_ibuf [dreg:s22], $0x2FFFF;
	_ =	strace $0x9FFFFFFF  }
0xd3: {  	(tm) =	ssettm $0x7FFFFFFF  }
tec
execute0_lowered:
.L_overlay_start_1:
0x0: {  	(tag) =	ssettag $0x1  }
0x1: {  	s1 =	rddreg [dreg:$0x0]  }
0x2: {  	s5 =	rddreg [dreg:$0x1]  }
0x3: {  	s21 =	rddreg [dreg:$0x2]  }
0x4: {  	s22 =	rddreg [dreg:$0x3];
	s17 =	simm.s32 $0x0  }
0x5: {  	s4 =	stileid.u32;
	[smem:$0x7FF] =	sst s17;
	s18 =	sadd.s32 $0x62400, s5  }
0x6: {  	s14 =	simm.s32 $0x400;
	_ =	strace $0x8000004A;
	[dreg:$0x5] =	wrdreg s18  }
0x7: {  	s15 =	simm.s32 $0x800;
	s16 =	simm.s32 $0x18548;
	[dreg:$0xe] =	wrdreg s14  }
0x8: {  	s0 =	sshll.u32 s4, $0x6;
	s10 =	sshll.u32 s4, $0x5;
	[dreg:$0xf] =	wrdreg s15  }
0x9: {  	s24 =	sadd.s32 $0xA3200, s5;
	s28 =	sor.u32 $0x1C05, s0;
	[dreg:$0x10] =	wrdreg s16  }
0xa: {  	s19 =	sadd.s32 s10, s5;
	s10 =	sadd.s32 s24, s10;
	[dreg:$0xa] =	wrdreg s28  }
0xb: {  	s2 =	srdreg.scid;
	[dreg:$0xc] =	wrdreg s10  }
0xc: {  	s13 =	sand.u32 $0x1, s2;
	s18 =	rddreg [dreg:$0xf]  }
0xd: {  	s3 =	sshll.u32 s4, $0x10;
	s7 =	sadd.s32 s0, s5;
	s14 =	rddreg [dreg:$0x10]  }
0xe: {  	s6 =	sshll.u32 s4, $0x11;
	s20 =	sadd.s32 $0xA2A00, s7;
	s15 =	rddreg [dreg:$0x5]  }
0xf: {  	s26 =	sshll.u32 s4, $0x8;
	s23 =	sadd.s32 $0xA2E00, s7;
	[dreg:$0x7] =	wrdreg s20  }
0x10: {  	s2 =	sshll.u32 s13, $0xA;
	s25 =	sadd.s32 $0x62200, s19;
	[dreg:$0x8] =	wrdreg s23  }
0x11: {  	s3 =	sor.u32 s2, s3;
	s8 =	sor.u32 s2, s6;
	[dreg:$0x9] =	wrdreg s25  }
0x12: {  	s19 =	sor.u32 $0x1000, s26;
	s6 =	sshrl.u32 s6, $0x2;
	s16 =	rddreg [dreg:$0xa]  }
0x13: {  	s10 =	simm.s32 $0x8348;
	s11 =	sshrl.u32 s19, $0x3;
	s23 =	rddreg [dreg:$0xe]  }
0x14: {  	s28 =	simm.s32 $0x80;
	s12 =	sadd.s32 s24, s11;
	s11 =	rddreg [dreg:$0x7]  }
0x15: {  	s9 =	sshrl.u32 s3, $0x3;
	s8 =	sshrl.u32 s8, $0x3;
	s25 =	rddreg [dreg:$0x8]  }
0x16: {  	s1 =	sadd.s32 s1, s8;
	s8 =	sadd.s32 s26, s22;
	s26 =	rddreg [dreg:$0x9]  }
0x17: {  	s3 =	sadd.s32 $0xA3600, s5;
	s7 =	sadd.s32 s6, s21;
	[dreg:$0x6] =	wrdreg s1  }
0x18: {  	s6 =	simm.s32 $0x8548;
	s29 =	sadd.s32 s3, s9;
	s20 =	rddreg [dreg:$0x6]  }
0x19: {  	[tilespmem:s6], [sflag:$0x1] =	stream.strided.gather [hbm4b:s20+s23], $0x10000, s18, s23, $0x38;
	[tilespmem:$0x18748] =	vst v63  }
0x1a: {  	s5 =	sadd.s32 s9, s5;
	s24 =	simm.s32 $0x8148;
	[dreg:$0xb] =	wrdreg s29  }
0x1b: {  	[tilespmem:s24], [sflag:$0x2] =	stream.linear.gather [hbm4b:s11+s17], $0x200, $0x38;
	[tilespmem:$0x18748] =	vst v63  }
0x1c: {  	[dreg:$0xd] =	wrdreg s12;
	s5 =	sadd.s32 $0x42200, s5;
	s29 =	sshrl.u32 s8, $0x3  }
0x1d: {  	[tilespmem:s10], [sflag:$0x3] =	stream.linear.gather [hbm4b:s25+s17], $0x200, $0x38;
	[tilespmem:$0x18748] =	vst v63  }
0x1e: {  	s12 =	simm.s32 $0x5;
	[dreg:$0x11] =	wrdreg s29;
	s23 =	simm.s32 $0x8  }
0x1f: {  	[tilespmem:s14], [sflag:$0x4] =	stream.linear.gather [hbm4b:s15+s17], $0x200, $0x38;
	[tilespmem:$0x18748] =	vst v63  }
0x20: {  	s11 =	simm.s32 $0x100;
	s14 =	sor.u32 $0x1C06, s0;
	s15 =	sshrl.u32 s7, $0x3  }
0x21: {  	[spmem:s29], [sflag:s16] =	dma.local [hbm:s26], $0x20  }
0x22: {  	[spmem:s15@s28], [sflag:s14] =	dma.strided [hbm:s5@s11], $0x1000, s23, $0x10   }
0x23: {  	_ =	swait.ge [sflag:s12], $0x20  }
0x24: {  	[sflag:s12] =	ssyncset.done $0x0  }
0x25: {  	s16 =	simm.s32 $0x6;
	[sflag:s12] =	ssyncadd.s32 $0xFFFFFFE0  }
0x26: {  	_ =	swait.ge [sflag:s16], $0x1000  }
0x27: {  	[sflag:s16] =	ssyncset.done $0x0  }
0x28: {  	[sflag:s16] =	ssyncadd.s32 $0xFFFFF000  }
0x29: {  	s17 =	simm.s32 $0x1;
	[bflag:$0x0] =	sbarrier.arrive $0xFFFF  }
0x2a: {  	_ =	swait.ge [sflag:s17], $0x10000  }
0x2b: {  	[sflag:s17] =	ssyncset.done $0x0  }
0x2c: {  	s18 =	simm.s32 $0x2;
	[sflag:s17] =	ssyncadd.s32 $0xFFFF0000  }
0x2d: {  	_ =	swait.ge [sflag:s18], $0x200  }
0x2e: {  	p0 =	sne.s32 s13, $0x0;
	[sflag:s18] =	ssyncset.done $0x0  }
0x2f: {  	s20 =	simm.s32 @!p0 $0x4;
	s29 =	simm.s32 $0x200;
	[sflag:s18] =	ssyncadd.s32 $0xFFFFFE00  }
0x30: {  	[spmem:s21] =	stream.indirect.scatter.add.f32 [tilespmem:s6], [sflag:$0x7], $0x80, s24, s29, $0xb8;
	[tilespmem:$0x18748] =	vst v63  }
0x31: {  	_ =	swait.ge @!p0 [sflag:s20], $0x200  }
0x32: {  	s9 =	simm.s32 @!p0 $0x200;
	[sflag:s20] =	ssyncset.done @!p0 $0x0  }
0x33: {  	s1 =	simm.s32 @!p0 $0x18548;
	s24 =	simm.s32 @!p0 $0x8148;
	[sflag:s20] =	ssyncadd.s32 @!p0 $0xFFFFFE00  }
0x34: {  	[spmem:s22] =	stream.indirect.scatter.add.f32 @!p0 [tilespmem:s1], [sflag:$0x8], $0x1, s24, s9, $0xb8;
	[tilespmem:$0x18748] =	vst v63  }
0x35: {  	s24 =	simm.s32 @!p0 $0x8  }
0x36: {  	_ =	swait.ge @!p0 [sflag:s24], $0x200  }
0x37: {  	[sflag:s24] =	ssyncset.done @!p0 $0x0  }
0x38: {  	s25 =	simm.s32 $0x7;
	[sflag:s24] =	ssyncadd.s32 @!p0 $0xFFFFFE00  }
0x39: {  	_ =	swait.ge [sflag:s25], $0x10000  }
0x3a: {  	[sflag:s25] =	ssyncset.done $0x0  }
0x3b: {  	[sflag:s25] =	ssyncadd.s32 $0xFFFF0000  }
0x3c: {  	s1 =	sshll.u32 @!p0 s4, $0x6;
	[bflag:$0x0] =	sbarrier.arrive $0xFFFF  }
0x3d: {  	s26 =	sor.u32 $0x1C09, s0;
	s1 =	sor.u32 @!p0 $0x1C0A, s1;
	s12 =	rddreg [dreg:$0xb]  }
0x3e: {  	[hbm:s12@s11], [sflag:s26] =	dma.strided [spmem:s15@s28], $0x1000, s23, $0x10   }
0x3f: {  	s9 =	sshrl.u32 @!p0 s8, $0x3;
	[dreg:$0x12] =	wrdreg s1  }
0x40: {  	[dreg:$0x13] =	wrdreg s9  }
0x41: {  	s30 =	simm.s32 @!p0 $0xA;
	s0 =	rddreg [dreg:$0xc]  }
0x42: {  	[hbm:s0], [sflag:s1] =	dma.local @!p0 [spmem:s9], $0x20  }
0x43: {  	_ =	swait.ge @!p0 [sflag:s30], $0x20  }
0x44: {  	[sflag:s30] =	ssyncset.done @!p0 $0x0  }
0x45: {  	s31 =	simm.s32 $0x9;
	[sflag:s30] =	ssyncadd.s32 @!p0 $0xFFFFFFE0  }
0x46: {  	_ =	swait.ge [sflag:s31], $0x1000  }
0x47: {  	[sflag:s31] =	ssyncset.done $0x0  }
0x48: {  	[sflag:s31] =	ssyncadd.s32 $0xFFFFF000  }
0x49: {  	[bflag:$0x0] =	sbarrier.arrive $0xFFFF  }
0x4a: {  	[spmem:s15@s28], [sflag:s14] =	dma.strided [hbm:s5@s11], $0x1000, s23, $0x10   }
0x4b: {  	_ =	swait.ge [sflag:s16], $0x1000  }
0x4c: {  	[sflag:s16] =	ssyncset.done $0x0  }
0x4d: {  	[sflag:s16] =	ssyncadd.s32 $0xFFFFF000  }
0x4e: {  	s0 =	simm.s32 $0x3;
	[bflag:$0x0] =	sbarrier.arrive $0xFFFF  }
0x4f: {  	_ =	swait.ge [sflag:s0], $0x200  }
0x50: {  	p1 =	seq.s32 s13, $0x0;
	[sflag:s0] =	ssyncset.done $0x0  }
0x51: {  	s19 =	sshll.u32 s19, $0x8;
	s1 =	simm.s32 @p1 $0x7;
	[sflag:s0] =	ssyncadd.s32 $0xFFFFFE00  }
0x52: {  	[spmem:s21] =	stream.indirect.scatter.add.f32 [tilespmem:s6], [sflag:$0x7], $0x80, s10, s29, $0xb8;
	[tilespmem:$0x18748] =	vst v63  }
0x53: {  	s2 =	sor.u32 s2, s19;
	_ =	swait.ge @p1 [sflag:s1], $0x10000  }
0x54: {  	s2 =	sshrl.u32 s2, $0x3;
	[sflag:s1] =	ssyncset.done @p1 $0x0  }
0x55: {  	s9 =	simm.s32 @p1 $0x8;
	s23 =	simm.s32 @!p1 $0x8;
	[sflag:s1] =	ssyncadd.s32 @p1 $0xFFFF0000  }
0x56: {  	s21 =	sadd.s32 s3, s2;
	s6 =	sshrl.u32 @p1 s7, $0x3;
	[bflag:$0x0] =	sbarrier.arrive @p1 $0xFFFF  }
0x57: {  	s2 =	simm.s32 @p1 $0x100;
	s3 =	simm.s32 @p1 $0x80;
	[dreg:$0x14] =	wrdreg s6  }
0x58: {  	[hbm:s21@s2], [sflag:s26] =	dma.strided @p1 [spmem:s6@s3], $0x1000, s9, $0x10   }
0x59: {  	s2 =	simm.s32 @!p1 $0x18548;
	s3 =	simm.s32 @!p1 $0x200;
	s6 =	simm.s32 @!p1 $0x8348  }
0x5a: {  	[spmem:s22] =	stream.indirect.scatter.add.f32 @!p1 [tilespmem:s2], [sflag:$0x8], $0x1, s6, s3, $0xb8;
	[tilespmem:$0x18748] =	vst v63  }
0x5b: {  	_ =	swait.ge @!p1 [sflag:s23], $0x200  }
0x5c: {  	[sflag:s23] =	ssyncset.done @!p1 $0x0  }
0x5d: {  	s2 =	simm.s32 @!p1 $0x7;
	[sflag:s23] =	ssyncadd.s32 @!p1 $0xFFFFFE00  }
0x5e: {  	_ =	swait.ge @!p1 [sflag:s2], $0x10000  }
0x5f: {  	[sflag:s2] =	ssyncset.done @!p1 $0x0  }
0x60: {  	[sflag:s2] =	ssyncadd.s32 @!p1 $0xFFFF0000  }
0x61: {  	s3 =	sshrl.u32 @!p1 s7, $0x3;
	[bflag:$0x0] =	sbarrier.arrive @!p1 $0xFFFF  }
0x62: {  	s6 =	simm.s32 @!p1 $0x80;
	s7 =	simm.s32 @!p1 $0x100;
	[dreg:$0x15] =	wrdreg s3  }
0x63: {  	[hbm:s21@s7], [sflag:s26] =	dma.strided @!p1 [spmem:s3@s6], $0x1000, s23, $0x10   }
0x64: {  	s7 =	sshll.u32 @!p1 s4, $0x6  }
0x65: {  	s28 =	ssub.s32 $0x2, s13;
	s19 =	rddreg [dreg:$0xd];
	s3 =	sor.u32 @!p1 $0x1C0A, s7  }
0x66: {  	s29 =	sshrl.u32 s28, $0x1;
	s4 =	sshrl.u32 @!p1 s8, $0x3;
	[dreg:$0x16] =	wrdreg s3  }
0x67: {  	[hbm:s19], [sflag:s3] =	dma.local @!p1 [spmem:s4], $0x20  }
0x68: {  	s19 =	ssub.s32 s28, s29  }
0x69: {  	s19 =	smax.u32 s19, $0x1  }
0x6a: {  	s13 =	simm.s32 @!p1 $0xA;
	s19 =	sadd.s32 $0xFFFFFFFF, s19  }
0x6b: {  	_ =	swait.ge @!p1 [sflag:s13], $0x20;
	p2 =	sne.s32 s19, $0x0  }
.Ltmp0:
0x6c: {  	[sflag:s13] =	ssyncset.done @!p1 $0x0;
	(pc) =	sbr.rel @!p2 .LBB2_3-.Ltmp0, $4  }
0x6d: {  	[sflag:s13] =	ssyncadd.s32 @!p1 $0xFFFFFFE0  }
0x6e: {  	_ =	swait.ge [sflag:s31], $0x1000  }
0x6f: {  	[sflag:s31] =	ssyncset.done $0x0  }
0x70: {  	[sflag:s31] =	ssyncadd.s32 $0xFFFFF000  }
0x71: {  	s12 =	smov.u32 s4  }
0x72: {  	s9 =	simm.s32 $0x8548;
	s10 =	simm.s32 $0x8348;
	s11 =	simm.s32 $0x100  }
.LBB2_2:
0x73: {  	[bflag:$0x0] =	sbarrier.arrive $0xFFFF  }
0x74: {  	s28 =	rddreg [dreg:$0xf]  }
0x75: {  	s29 =	rddreg [dreg:$0xa]  }
0x76: {  	s4 =	rddreg [dreg:$0x9]  }
0x77: {  	s22 =	rddreg [dreg:$0x6]  }
0x78: {  	s3 =	rddreg [dreg:$0xe]  }
0x79: {  	s6 =	rddreg [dreg:$0x10]  }
0x7a: {  	s7 =	rddreg [dreg:$0x7]  }
0x7b: {  	[tilespmem:s9], [sflag:$0x1] =	stream.strided.gather [hbm4b:s22+s3], $0x10000, s28, s3, $0x38;
	[tilespmem:$0x18748] =	vst v63  }
0x7c: {  	s8 =	rddreg [dreg:$0x5];
	s22 =	simm.s32 $0x0;
	s28 =	simm.s32 $0x8148  }
0x7d: {  	[tilespmem:s28], [sflag:$0x2] =	stream.linear.gather [hbm4b:s7+s22], $0x200, $0x38;
	[tilespmem:$0x18748] =	vst v63  }
0x7e: {  	s3 =	rddreg [dreg:$0x8]  }
0x7f: {  	[tilespmem:s10], [sflag:$0x3] =	stream.linear.gather [hbm4b:s3+s22], $0x200, $0x38;
	[tilespmem:$0x18748] =	vst v63  }
0x80: {  	s7 =	rddreg [dreg:$0x11]  }
0x81: {  	[tilespmem:s6], [sflag:$0x4] =	stream.linear.gather [hbm4b:s8+s22], $0x200, $0x38;
	[tilespmem:$0x18748] =	vst v63  }
0x82: {  	[spmem:s7], [sflag:s29] =	dma.local [hbm:s4], $0x20  }
0x83: {  	s22 =	simm.s32 $0x80;
	s8 =	simm.s32 $0x5;
	s7 =	simm.s32 $0x8  }
0x84: {  	[spmem:s15@s22], [sflag:s14] =	dma.strided [hbm:s5@s11], $0x1000, s7, $0x10   }
0x85: {  	_ =	swait.ge [sflag:s8], $0x20  }
0x86: {  	[sflag:s8] =	ssyncset.done $0x0  }
0x87: {  	[sflag:s8] =	ssyncadd.s32 $0xFFFFFFE0  }
0x88: {  	_ =	swait.ge [sflag:s16], $0x1000  }
0x89: {  	[sflag:s16] =	ssyncset.done $0x0  }
0x8a: {  	[sflag:s16] =	ssyncadd.s32 $0xFFFFF000  }
0x8b: {  	[bflag:$0x0] =	sbarrier.arrive $0xFFFF  }
0x8c: {  	_ =	swait.ge [sflag:s17], $0x10000  }
0x8d: {  	[sflag:s17] =	ssyncset.done $0x0  }
0x8e: {  	[sflag:s17] =	ssyncadd.s32 $0xFFFF0000  }
0x8f: {  	_ =	swait.ge [sflag:s18], $0x200  }
0x90: {  	[sflag:s18] =	ssyncset.done $0x0  }
0x91: {  	[sflag:s18] =	ssyncadd.s32 $0xFFFFFE00  }
0x92: {  	s29 =	simm.s32 $0x200;
	s4 =	rddreg [dreg:$0x2]  }
0x93: {  	[spmem:s4] =	stream.indirect.scatter.add.f32 [tilespmem:s9], [sflag:$0x7], $0x80, s28, s29, $0xb8;
	[tilespmem:$0x18748] =	vst v63  }
0x94: {  	_ =	swait.ge @!p0 [sflag:s20], $0x200  }
0x95: {  	[sflag:s20] =	ssyncset.done @!p0 $0x0  }
0x96: {  	s3 =	simm.s32 @!p0 $0x18548;
	[sflag:s20] =	ssyncadd.s32 @!p0 $0xFFFFFE00  }
0x97: {  	s8 =	simm.s32 @!p0 $0x8148;
	s28 =	simm.s32 @!p0 $0x200;
	s6 =	rddreg [dreg:$0x3]  }
0x98: {  	[spmem:s6] =	stream.indirect.scatter.add.f32 @!p0 [tilespmem:s3], [sflag:$0x8], $0x1, s8, s28, $0xb8;
	[tilespmem:$0x18748] =	vst v63  }
0x99: {  	_ =	swait.ge @!p0 [sflag:s24], $0x200  }
0x9a: {  	[sflag:s24] =	ssyncset.done @!p0 $0x0  }
0x9b: {  	[sflag:s24] =	ssyncadd.s32 @!p0 $0xFFFFFE00  }
0x9c: {  	_ =	swait.ge [sflag:s25], $0x10000  }
0x9d: {  	[sflag:s25] =	ssyncset.done $0x0  }
0x9e: {  	[sflag:s25] =	ssyncadd.s32 $0xFFFF0000  }
0x9f: {  	[bflag:$0x0] =	sbarrier.arrive $0xFFFF  }
0xa0: {  	s28 =	rddreg [dreg:$0xb]  }
0xa1: {  	[hbm:s28@s11], [sflag:s26] =	dma.strided [spmem:s15@s22], $0x1000, s7, $0x10   }
0xa2: {  	s3 =	rddreg [dreg:$0xc]  }
0xa3: {  	s8 =	rddreg [dreg:$0x12]  }
0xa4: {  	s28 =	rddreg [dreg:$0x13]  }
0xa5: {  	[hbm:s3], [sflag:s8] =	dma.local @!p0 [spmem:s28], $0x20  }
0xa6: {  	_ =	swait.ge @!p0 [sflag:s30], $0x20  }
0xa7: {  	[sflag:s30] =	ssyncset.done @!p0 $0x0  }
0xa8: {  	[sflag:s30] =	ssyncadd.s32 @!p0 $0xFFFFFFE0  }
0xa9: {  	_ =	swait.ge [sflag:s31], $0x1000  }
0xaa: {  	[sflag:s31] =	ssyncset.done $0x0  }
0xab: {  	[sflag:s31] =	ssyncadd.s32 $0xFFFFF000  }
0xac: {  	[bflag:$0x0] =	sbarrier.arrive $0xFFFF  }
0xad: {  	[spmem:s15@s22], [sflag:s14] =	dma.strided [hbm:s5@s11], $0x1000, s7, $0x10   }
0xae: {  	_ =	swait.ge [sflag:s16], $0x1000  }
0xaf: {  	[sflag:s16] =	ssyncset.done $0x0  }
0xb0: {  	[sflag:s16] =	ssyncadd.s32 $0xFFFFF000  }
0xb1: {  	[bflag:$0x0] =	sbarrier.arrive $0xFFFF  }
0xb2: {  	_ =	swait.ge [sflag:s0], $0x200  }
0xb3: {  	[sflag:s0] =	ssyncset.done $0x0  }
0xb4: {  	[sflag:s0] =	ssyncadd.s32 $0xFFFFFE00  }
0xb5: {  	[spmem:s4] =	stream.indirect.scatter.add.f32 [tilespmem:s9], [sflag:$0x7], $0x80, s10, s29, $0xb8;
	[tilespmem:$0x18748] =	vst v63  }
0xb6: {  	_ =	swait.ge @p1 [sflag:s1], $0x10000  }
0xb7: {  	[sflag:s1] =	ssyncset.done @p1 $0x0  }
0xb8: {  	[sflag:s1] =	ssyncadd.s32 @p1 $0xFFFF0000  }
0xb9: {  	s3 =	simm.s32 @p1 $0x100;
	[bflag:$0x0] =	sbarrier.arrive @p1 $0xFFFF  }
0xba: {  	s8 =	simm.s32 @p1 $0x8;
	s4 =	simm.s32 @p1 $0x80;
	s7 =	rddreg [dreg:$0x14]  }
0xbb: {  	[hbm:s21@s3], [sflag:s26] =	dma.strided @p1 [spmem:s7@s4], $0x1000, s8, $0x10   }
0xbc: {  	s3 =	simm.s32 @!p1 $0x18548;
	s4 =	simm.s32 @!p1 $0x200;
	s7 =	simm.s32 @!p1 $0x8348  }
0xbd: {  	[spmem:s6] =	stream.indirect.scatter.add.f32 @!p1 [tilespmem:s3], [sflag:$0x8], $0x1, s7, s4, $0xb8;
	[tilespmem:$0x18748] =	vst v63  }
0xbe: {  	_ =	swait.ge @!p1 [sflag:s23], $0x200  }
0xbf: {  	[sflag:s23] =	ssyncset.done @!p1 $0x0  }
0xc0: {  	[sflag:s23] =	ssyncadd.s32 @!p1 $0xFFFFFE00  }
0xc1: {  	_ =	swait.ge @!p1 [sflag:s2], $0x10000  }
0xc2: {  	[sflag:s2] =	ssyncset.done @!p1 $0x0  }
0xc3: {  	[sflag:s2] =	ssyncadd.s32 @!p1 $0xFFFF0000  }
0xc4: {  	[bflag:$0x0] =	sbarrier.arrive @!p1 $0xFFFF  }
0xc5: {  	s4 =	simm.s32 @!p1 $0x80;
	s6 =	simm.s32 @!p1 $0x100;
	s3 =	rddreg [dreg:$0x15]  }
0xc6: {  	[hbm:s21@s6], [sflag:s26] =	dma.strided @!p1 [spmem:s3@s4], $0x1000, s23, $0x10   }
0xc7: {  	s3 =	rddreg [dreg:$0xd]  }
0xc8: {  	s19 =	sadd.s32 $0xFFFFFFFF, s19;
	s4 =	rddreg [dreg:$0x16]  }
0xc9: {  	[hbm:s3], [sflag:s4] =	dma.local @!p1 [spmem:s12], $0x20  }
0xca: {  	p2 =	sne.s32 s19, $0x0;
	_ =	swait.ge @!p1 [sflag:s13], $0x20  }
.Ltmp1:
0xcb: {  	[sflag:s13] =	ssyncset.done @!p1 $0x0;
	(pc) =	sbr.rel @p2 .LBB2_2-.Ltmp1, $4  }
0xcc: {  	[sflag:s13] =	ssyncadd.s32 @!p1 $0xFFFFFFE0  }
0xcd: {  	_ =	swait.ge [sflag:s31], $0x1000  }
0xce: {  	[sflag:s31] =	ssyncset.done $0x0  }
0xcf: {  	[sflag:s31] =	ssyncadd.s32 $0xFFFFF000  }
.LBB2_3:
0xd0: {  	[bflag:$0x0] =	sbarrier.arrive $0xFFFF  }
0xd1: {  	_ =	sfence.sel $0x180000  }
0xd2: {  	[bflag:$0x0] =	sbarrier.arrive $0xFFFF  }
0xd3: {  	_ =	strace $0x9000004A  }
0xd4: {  	s0 =	stileid.u32;
	[bflag:$0x2] =	sbarrier.arrive $0xFFFF  }
0xd5: {  	p0 =	sne.s32 s0, $0x0;
	s0 =	rddreg [dreg:$0x4]  }
0xd6: {  	s0 =	sadd.s32 @!p0 $0x100000, s0  }
0xd7: {  	[sflag:s0] =	ssyncadd.tile.s32 @!p0 $0x1;
	_ =	shalt  }
.Lfunc_end2:
_tile_overlayer_lowered:
.L_overlay_start_2:
0xd8: {  	(tag) =	ssettag $0x2  }
0xd9: {  	s0 =	rddreg [dreg:$0x0];
	s2 =	stileid.u32  }
0xda: {  	s1 =	rddreg [dreg:$0x1];
	p0 =	sne.s32 s2, $0x0  }
0xdb: {  	s3 =	rddreg [dreg:$0x2];
	[bflag:$0x3] =	sbarrier.arrive $0xFFFF;
	s2 =	simm.s32 @!p0 $0x1C0B  }
0xdc: {  	[timem:s3], [sflag:s2] =	dma.local @!p0 [hbm:s0], s1  }
0xdd: {  	s0 =	simm.s32 @!p0 $0xB  }
0xde: {  	_ =	swait.ge @!p0 [sflag:s0], s1  }
0xdf: {  	s1 =	ssub.s32 @!p0 $0x0, s1;
	[sflag:s0] =	ssyncset.done @!p0 $0x0  }
0xe0: {  	[sflag:s0] =	ssyncadd.s32 @!p0 s1  }
0xe1: {  	[bflag:$0x3] =	sbarrier.arrive $0xFFFF  }
0xe2: {  	_ =	shalt  }

// kernel: kernel.8.cloned.1.call-start
scs
__scs_entry_jumppad:
0x0: {  	(pc) =	sbr.rel $0x88, $3  }
0x1: {  	(tag) =	ssettag $0x0;
	lr =	simm.s32 $0x1  }
0x2: {  	[smem:$0x3F9E] =	sst lr;
	_ =	strace $0xD0000000  }
0x3: {  	_ = 	snop  }
0x4: {  	_ = 	snop  }
0x5: {  	_ = 	snop  }
0x6: {  	_ = 	snop  }
0x7: {  	_ = 	snop  }
__scs_overlays_trampoline_lowered:
0x8: {  	[smem:$0x3FAD] =	sst s0  }
0x9: {  	[smem:$0x3FAE] =	sst s1  }
0xa: {  	[smem:$0x3FAF] =	sst s2  }
0xb: {  	[smem:$0x3FB0] =	sst s3  }
0xc: {  	[smem:$0x3FB1] =	sst s4  }
0xd: {  	[smem:$0x3FB2] =	sst s5  }
0xe: {  	[smem:$0x3FB3] =	sst s6  }
0xf: {  	[smem:$0x3FB4] =	sst s7  }
0x10: {  	[smem:$0x3FB5] =	sst s8  }
0x11: {  	[smem:$0x3FB6] =	sst s9;
	s0 =	simm.s32 @!p0 $0x0  }
0x12: {  	s1 =	sld [smem:$0x3F9C];
	s0 =	simm.s32 @p0 $0x1  }
0x13: {  	[smem:$0x3FB7] =	sst s0;
	s0 =	simm.s32 @!p1 $0x0  }
0x14: {  	s2 =	sld [smem:$0x3F9B];
	s0 =	simm.s32 @p1 $0x1  }
0x15: {  	[smem:$0x3FB8] =	sst s0;
	s0 =	simm.s32 @!p2 $0x0  }
0x16: {  	s3 =	sld [smem:$0x3FDB];
	s0 =	simm.s32 @p2 $0x1  }
0x17: {  	s4 =	simm.s32 $0x1BF5;
	[smem:$0x3FBA] =	sst s0  }
0x18: {  	s0 =	sld [smem:$0x3F9D];
	_ =	swait.ge [sflag:s4], $0x0  }
0x19: {  	s7 =	sld [smem:$0x3F9E]  }
0x1a: {  	s8 =	sadd.s32 $0xFFFFE003, lr  }
0x1b: {  	s9 =	sadd.s32 $0xFFFFFEF7, lr;
	s5 =	simm.s32 $0xFFFFFFFF;
	p2 =	slt.u32 s8, $0xFFFFF086  }
0x1c: {  	p1 =	slt.u32 s9, $0xF7A;
	s5 =	simm.s32 @!p2 $0x0  }
0x1d: {  	s5 =	simm.s32 @p1 $0x1;
	p0 =	seq.s32 s7, s2  }
0x1e: {  	s7 =	smul.u32 @!p0 $0xF7A, s2;
	p2 =	seq.s32 @!p0 s5, $0x0  }
0x1f: {  	s9 =	smul.u32 $0xF7A, s1;
	s8 =	simm.s32 @!p0 $0x1BF5;
	p2 =	por !p2, p0  }
0x20: {  	[sflag:s8] =	ssyncset.s32 @!p0 $0xFFFFF086;
	s6 =	sadd.s32 @!p0 s3, s7;
	s7 =	simm.s32 @!p0 $0x108  }
0x21: {  	s3 =	sadd.s32 s3, s9;
	s6 =	sadd.s32 @!p0 $0x88, s6;
	s7 =	simm.s32 @p2 $0x1082  }
0x22: {  	[simem:s7], [sflag:s8] =	dma.local @!p0 [hbm:s6], $0xF7A  }
0x23: {  	s9 =	sor.u32 $0xD0000000, s2;
	s6 =	simm.s32 $0x108;
	_ =	swait.ge @!p0 [sflag:s8], $0x0  }
0x24: {  	s3 =	sadd.s32 $0x88, s3;
	s6 =	simm.s32 @!p1 $0x1082;
	[sflag:s4] =	ssyncset.s32 $0xFFFFF086  }
0x25: {  	[simem:s6], [sflag:s4] =	dma.local [hbm:s3], $0xF7A  }
0x26: {  	[smem:$0x3F9E] =	sst s1;
	(tag) =	ssettag s2;
	_ =	strace s9  }
0x27: {  	s1 =	sld [smem:$0x3FAE]  }
0x28: {  	s2 =	sld [smem:$0x3FAF]  }
0x29: {  	s4 =	sld [smem:$0x3FB1]  }
0x2a: {  	p0 =	seq.s32 s5, $0x0;
	s5 =	sld [smem:$0x3FB2]  }
0x2b: {  	s6 =	sld [smem:$0x3FB3]  }
0x2c: {  	s7 =	sld [smem:$0x3FB4]  }
0x2d: {  	s3 =	simm.s32 $0x108;
	s8 =	sld [smem:$0x3FB5]  }
0x2e: {  	s3 =	simm.s32 @!p0 $0x1082;
	s9 =	sld [smem:$0x3FB6]  }
0x2f: {  	lr =	sadd.s32 s0, s3;
	s0 =	sld [smem:$0x3FAD]  }
0x30: {  	s3 =	sld [smem:$0x3FB0]  }
0x31: {  	[smem:$0x3FB9] =	sst s10  }
0x32: {  	s10 =	sld [smem:$0x3FB7];
	_ =	sdelay $0x3  }
0x33: {  	p0 =	seq.s32 s10, $0x1;
	s10 =	sld [smem:$0x3FB9];
	_ =	sdelay $0x3  }
0x34: {  	[smem:$0x3FB9] =	sst s10  }
0x35: {  	s10 =	sld [smem:$0x3FB8];
	_ =	sdelay $0x3  }
0x36: {  	p1 =	seq.s32 s10, $0x1;
	s10 =	sld [smem:$0x3FB9];
	_ =	sdelay $0x3  }
0x37: {  	[smem:$0x3FB9] =	sst s10  }
0x38: {  	s10 =	sld [smem:$0x3FBA]  }
0x39: {  	_ = 	snop;
	(pc) =	sbr.ind lr, $3  }
0x3a: {  	_ = 	snop  }
0x3b: {  	_ = 	snop  }
0x3c: {  	p2 =	seq.s32 s10, $0x1;
	s10 =	sld [smem:$0x3FB9]  }
0x3d: {  	_ =	shalt  }
0x3e: {  	_ =	shalt  }
0x3f: {  	_ =	shalt  }
0x40: {  	_ =	shalt  }
0x41: {  	_ =	shalt  }
0x42: {  	_ =	shalt  }
0x43: {  	_ =	shalt  }
0x44: {  	_ =	shalt  }
0x45: {  	_ =	shalt  }
0x46: {  	_ =	shalt  }
0x47: {  	_ =	shalt  }
0x48: {  	_ =	shalt  }
0x49: {  	_ =	shalt  }
0x4a: {  	_ =	shalt  }
0x4b: {  	_ =	shalt  }
0x4c: {  	_ =	shalt  }
0x4d: {  	_ =	shalt  }
0x4e: {  	_ =	shalt  }
0x4f: {  	_ =	shalt  }
0x50: {  	_ =	shalt  }
0x51: {  	_ =	shalt  }
0x52: {  	_ =	shalt  }
0x53: {  	_ =	shalt  }
0x54: {  	_ =	shalt  }
0x55: {  	_ =	shalt  }
0x56: {  	_ =	shalt  }
0x57: {  	_ =	shalt  }
0x58: {  	_ =	shalt  }
0x59: {  	_ =	shalt  }
0x5a: {  	_ =	shalt  }
0x5b: {  	_ =	shalt  }
0x5c: {  	_ =	shalt  }
0x5d: {  	_ =	shalt  }
0x5e: {  	_ =	shalt  }
0x5f: {  	_ =	shalt  }
0x60: {  	_ =	shalt  }
0x61: {  	_ =	shalt  }
0x62: {  	_ =	shalt  }
0x63: {  	_ =	shalt  }
0x64: {  	_ =	shalt  }
0x65: {  	_ =	shalt  }
0x66: {  	_ =	shalt  }
0x67: {  	_ =	shalt  }
0x68: {  	_ =	shalt  }
0x69: {  	_ =	shalt  }
0x6a: {  	_ =	shalt  }
0x6b: {  	_ =	shalt  }
0x6c: {  	_ =	shalt  }
0x6d: {  	_ =	shalt  }
0x6e: {  	_ =	shalt  }
0x6f: {  	_ =	shalt  }
0x70: {  	_ =	shalt  }
0x71: {  	_ =	shalt  }
0x72: {  	_ =	shalt  }
0x73: {  	_ =	shalt  }
0x74: {  	_ =	shalt  }
0x75: {  	_ =	shalt  }
0x76: {  	_ =	shalt  }
0x77: {  	_ =	shalt  }
0x78: {  	_ =	shalt  }
0x79: {  	_ =	shalt  }
0x7a: {  	_ =	shalt  }
0x7b: {  	_ =	shalt  }
0x7c: {  	_ =	shalt  }
0x7d: {  	_ =	shalt  }
0x7e: {  	_ =	shalt  }
0x7f: {  	_ =	shalt  }
0x80: {  	_ =	shalt  }
0x81: {  	_ =	shalt  }
0x82: {  	_ =	shalt  }
0x83: {  	_ =	shalt  }
0x84: {  	_ =	shalt  }
0x85: {  	_ =	shalt  }
0x86: {  	_ =	shalt  }
0x87: {  	_ =	shalt  }
.Lfunc_end0:
.L_simem_size_0:
called_computation_lowered:
.L_overlay_start_0:
0x88: {  	s2 =	sld [smem:$0x3FD9]  }
0x89: {  	s3 =	sld [smem:$0x3FFE];
	_ =	sdelay $0x1  }
0x8a: {  	s1 =	srdreg.scid  }
0x8b: {  	s0 =	sand.u32 $0x1, s1  }
0x8c: {  	s16 =	sshll.u32 s0, $0xA;
	s2 =	sadd.s32 s3, s2  }
0x8d: {  	s2 =	sadd.s32 s2, s16  }
0x8e: {  	[smem:$0x3FC5] =	sst s2  }
0x8f: {  	_ = 	snop  }
0x90: {  	(tm) =	ssettm $0x1  }
0x91: {  	s17 =	sld [smem:$0x3FFB];
	_ =	sdelay $0x3  }
0x92: {  	_ =	strace s17  }
0x93: {  	s2 =	sld [smem:$0x3FFC];
	_ =	sdelay $0x3  }
0x94: {  	_ =	strace s2  }
0x95: {  	s2 =	sld [smem:$0x3FFD];
	_ =	sdelay $0x3  }
0x96: {  	_ =	strace s2  }
0x97: {  	_ =	strace $0x8FFFFFFF  }
0x98: {  	s18 =	sld [smem:$0x3FDB];
	_ =	sdelay $0x1  }
0x99: {  	s19 =	simm.s32 $_scs_section_size  }
0x9a: {  	s4 =	simm.s32 $_size__tile_overlayer_lowered;
	s5 =	simm.s32 $_tile_overlayer_lowered  }
0x9b: {  	s22 =	simm.s32 $0x1BFF;
	s21 =	sshll.u32 s5, $0x1;
	s2 =	sadd.s32 s19, s18  }
0x9c: {  	s6 =	simm.s32 $0x0;
	s20 =	sshll.u32 s4, $0x1;
	s4 =	sadd.s32 s21, s2  }
0x9d: {  	[timem:s6], [sflag:s22] =	dma.local [hbm:s4], s20  }
0x9e: {  	_ =	swait.ge [sflag:s22], s20  }
0x9f: {  	s3 =	ssub.s32 $0x0, s20;
	[sflag:s22] =	ssyncset.done $0x0  }
0xa0: {  	[sflag:s22] =	ssyncadd.s32 s3;
	_ =	sdelay $0x1  }
0xa1: {  	s23 =	simm.s32 $0x1B8B  }
0xa2: {  	_ =	swait.ge [sflag:s23], $0x1  }
0xa3: {  	[sflag:s23] =	ssyncset.done $0x0  }
0xa4: {  	s25 =	simm.s32 $0x1B8E;
	s24 =	sld [smem:$0x3FFE];
	[sflag:s23] =	ssyncadd.s32 $0xFFFFFFFF  }
0xa5: {  	s26 =	simm.s32 $execute0_lowered;
	[smem:$0x3FD2] =	sst s25  }
0xa6: {  	s4 =	sshll.u32 s26, $0x1;
	_ =	strace $0x80000046;
	[dreg:$0x1] =	wrdreg $0xFFFFFFFF  }
0xa7: {  	s28 =	simm.s32 $_size_execute0_lowered;
	s2 =	sadd.s32 s2, s4;
	[dreg:$0x0] =	wrdreg $0x0  }
0xa8: {  	s4 =	sshll.u32 s28, $0x1;
	[dreg:$0x2] =	wrdreg s2  }
0xa9: {  	[dreg:$0x3] =	wrdreg s4  }
0xaa: {  	[dreg:$0x4] =	wrdreg $0xC0  }
0xab: {  	_ =	task [dreg:s6], $0x5FFFF  }
0xac: {  	[dreg:$0x1] =	wrdreg $0xFFFFFFFF  }
0xad: {  	[dreg:$0x0] =	wrdreg $0x60  }
0xae: {  	[dreg:$0x2] =	wrdreg s24  }
0xaf: {  	[dreg:$0x3] =	wrdreg $0x0  }
0xb0: {  	[dreg:$0x4] =	wrdreg $0x80400  }
0xb1: {  	[dreg:$0x5] =	wrdreg $0x9  }
0xb2: {  	_ =	task.clear_ibuf [dreg:s6], $0x6FFFF;
	_ =	strace $0x90000046  }
0xb3: {  	s29 =	simm.s32 $0x9;
	_ =	strace $0x80000048  }
0xb4: {  	_ =	swait.ge [sflag:s29], $0x1  }
0xb5: {  	[sflag:s29] =	ssyncadd.s32 $0xFFFFFFFF  }
0xb6: {  	_ =	strace $0x90000048  }
0xb7: {  	_ =	sfence  }
0xb8: {  	s30 =	sld [smem:$0x0];
	_ =	sdelay $0x2  }
0xb9: {  	s31 =	sshll.u32 s1, $0xD;
	s1 =	sshrl.u32 s1, $0x2  }
0xba: {  	s3 =	sand.u32 $0x4000, s31;
	s1 =	sadd.s32 s1, s30  }
0xbb: {  	s0 =	sor.u32 s3, s0;
	s1 =	sshll.u32 s1, $0x11  }
0xbc: {  	s0 =	sor.u32 s1, s0  }
0xbd: {  	s0 =	sadd.s32 $0x8F2B, s0  }
0xbe: {  	[sflag:s0] =	ssyncadd.remote.s32 $0x1  }
0xbf: {  	_ =	sfence.sel $0xFFFF  }
0xc0: {  	[dreg:$0x0] =	wrdreg $0xFFFFFFFF;
	(pc) =	sbr.abs _section_cstart, $3  }
0xc1: {  	[dreg:$0x1] =	wrdreg $0xFFFFFFFF  }
0xc2: {  	_ =	task.clear_ibuf [dreg:s6], $0x2FFFF;
	_ =	strace $0x9FFFFFFF  }
0xc3: {  	(tm) =	ssettm $0x7FFFFFFF  }
tec
execute0_lowered:
.L_overlay_start_1:
0x0: {  	(tag) =	ssettag $0x1  }
0x1: {  	s1 =	rddreg [dreg:$0x0]  }
0x2: {  	s21 =	rddreg [dreg:$0x1]  }
0x3: {  	s22 =	rddreg [dreg:$0x2];
	s0 =	srdreg.scid  }
0x4: {  	s4 =	stileid.u32;
	s15 =	simm.s32 $0x0;
	s14 =	simm.s32 $0x400  }
0x5: {  	s16 =	simm.s32 $0x800;
	[smem:$0x7FF] =	sst s15;
	s20 =	sadd.s32 $0x62400, s1  }
0x6: {  	s17 =	simm.s32 $0x18548;
	_ =	strace $0x80000047;
	[dreg:$0x4] =	wrdreg s20  }
0x7: {  	s13 =	sand.u32 $0x1, s0;
	s5 =	sshll.u32 s4, $0x11;
	[dreg:$0xd] =	wrdreg s14  }
0x8: {  	s9 =	sshll.u32 s4, $0x5;
	s25 =	sadd.s32 $0x62600, s1;
	[dreg:$0xe] =	wrdreg s16  }
0x9: {  	s24 =	sadd.s32 s9, s1;
	s9 =	sadd.s32 s25, s9;
	[dreg:$0xf] =	wrdreg s17  }
0xa: {  	s3 =	sshll.u32 s4, $0x10;
	s2 =	sshll.u32 s13, $0xA;
	[dreg:$0xb] =	wrdreg s9  }
0xb: {  	s26 =	sshll.u32 s4, $0x8;
	s19 =	sor.u32 s2, s5;
	s18 =	rddreg [dreg:$0xe]  }
0xc: {  	s3 =	sor.u32 s2, s3;
	s14 =	rddreg [dreg:$0xf];
	s0 =	sshrl.u32 s19, $0x3  }
0xd: {  	s8 =	sshrl.u32 s3, $0x3;
	s3 =	sadd.s32 $0x62A00, s1;
	s19 =	sor.u32 $0x1000, s26  }
0xe: {  	s6 =	sadd.s32 s0, s1;
	s0 =	sshll.u32 s4, $0x6;
	s29 =	sadd.s32 s3, s8  }
0xf: {  	s11 =	sshrl.u32 s19, $0x3;
	s7 =	sadd.s32 s0, s1;
	[dreg:$0xa] =	wrdreg s29  }
0x10: {  	s23 =	sadd.s32 $0x1A00, s6;
	s12 =	sadd.s32 s25, s11;
	s11 =	rddreg [dreg:$0xd]  }
0x11: {  	s1 =	sadd.s32 s8, s1;
	s8 =	sadd.s32 s26, s22;
	s26 =	rddreg [dreg:$0x4]  }
0x12: {  	s6 =	sadd.s32 $0x62200, s24;
	[dreg:$0x5] =	wrdreg s23  }
0x13: {  	s28 =	sor.u32 $0x1C05, s0;
	[dreg:$0x8] =	wrdreg s6  }
0x14: {  	[dreg:$0x9] =	wrdreg s28  }
0x15: {  	s10 =	sadd.s32 $0x41A00, s7;
	[dreg:$0xc] =	wrdreg s12  }
0x16: {  	s7 =	sadd.s32 $0x41E00, s7;
	[dreg:$0x6] =	wrdreg s10  }
0x17: {  	[dreg:$0x7] =	wrdreg s7  }
0x18: {  	s16 =	rddreg [dreg:$0x9]  }
0x19: {  	s5 =	sshrl.u32 s5, $0x2;
	s24 =	simm.s32 $0x8148;
	s20 =	rddreg [dreg:$0x5]  }
0x1a: {  	s6 =	simm.s32 $0x8548;
	s28 =	simm.s32 $0x80;
	s17 =	rddreg [dreg:$0x8]  }
0x1b: {  	[tilespmem:s6], [sflag:$0x1] =	stream.strided.gather [hbm4b:s20+s11], $0x10000, s18, s11, $0x38;
	[tilespmem:$0x18748] =	vst v63  }
0x1c: {  	s12 =	simm.s32 $0x5;
	s29 =	sshrl.u32 s8, $0x3;
	s23 =	rddreg [dreg:$0x6]  }
0x1d: {  	[tilespmem:s24], [sflag:$0x2] =	stream.linear.gather [hbm4b:s23+s15], $0x200, $0x38;
	[tilespmem:$0x18748] =	vst v63  }
0x1e: {  	s7 =	sadd.s32 s5, s21;
	s10 =	simm.s32 $0x8348;
	s25 =	rddreg [dreg:$0x7]  }
0x1f: {  	[tilespmem:s10], [sflag:$0x3] =	stream.linear.gather [hbm4b:s25+s15], $0x200, $0x38;
	[tilespmem:$0x18748] =	vst v63  }
0x20: {  	s5 =	sadd.s32 $0x42200, s1;
	[dreg:$0x10] =	wrdreg s29;
	s11 =	simm.s32 $0x100  }
0x21: {  	[tilespmem:s14], [sflag:$0x4] =	stream.linear.gather [hbm4b:s26+s15], $0x200, $0x38;
	[tilespmem:$0x18748] =	vst v63  }
0x22: {  	s23 =	simm.s32 $0x8;
	s14 =	sor.u32 $0x1C06, s0;
	s15 =	sshrl.u32 s7, $0x3  }
0x23: {  	[spmem:s29], [sflag:s16] =	dma.local [hbm:s17], $0x20  }
0x24: {  	[spmem:s15@s28], [sflag:s14] =	dma.strided [hbm:s5@s11], $0x1000, s23, $0x10   }
0x25: {  	_ =	swait.ge [sflag:s12], $0x20  }
0x26: {  	[sflag:s12] =	ssyncset.done $0x0  }
0x27: {  	s16 =	simm.s32 $0x6;
	[sflag:s12] =	ssyncadd.s32 $0xFFFFFFE0  }
0x28: {  	_ =	swait.ge [sflag:s16], $0x1000  }
0x29: {  	[sflag:s16] =	ssyncset.done $0x0  }
0x2a: {  	[sflag:s16] =	ssyncadd.s32 $0xFFFFF000  }
0x2b: {  	s17 =	simm.s32 $0x1;
	[bflag:$0x0] =	sbarrier.arrive $0xFFFF  }
0x2c: {  	_ =	swait.ge [sflag:s17], $0x10000  }
0x2d: {  	[sflag:s17] =	ssyncset.done $0x0  }
0x2e: {  	s18 =	simm.s32 $0x2;
	[sflag:s17] =	ssyncadd.s32 $0xFFFF0000  }
0x2f: {  	_ =	swait.ge [sflag:s18], $0x200  }
0x30: {  	p0 =	sne.s32 s13, $0x0;
	[sflag:s18] =	ssyncset.done $0x0  }
0x31: {  	s20 =	simm.s32 @!p0 $0x4;
	s29 =	simm.s32 $0x200;
	[sflag:s18] =	ssyncadd.s32 $0xFFFFFE00  }
0x32: {  	[spmem:s21] =	stream.indirect.scatter.add.f32 [tilespmem:s6], [sflag:$0x7], $0x80, s24, s29, $0xb8;
	[tilespmem:$0x18748] =	vst v63  }
0x33: {  	_ =	swait.ge @!p0 [sflag:s20], $0x200  }
0x34: {  	s9 =	simm.s32 @!p0 $0x200;
	[sflag:s20] =	ssyncset.done @!p0 $0x0  }
0x35: {  	s1 =	simm.s32 @!p0 $0x18548;
	s24 =	simm.s32 @!p0 $0x8148;
	[sflag:s20] =	ssyncadd.s32 @!p0 $0xFFFFFE00  }
0x36: {  	[spmem:s22] =	stream.indirect.scatter.add.f32 @!p0 [tilespmem:s1], [sflag:$0x8], $0x1, s24, s9, $0xb8;
	[tilespmem:$0x18748] =	vst v63  }
0x37: {  	s24 =	simm.s32 @!p0 $0x8  }
0x38: {  	_ =	swait.ge @!p0 [sflag:s24], $0x200  }
0x39: {  	[sflag:s24] =	ssyncset.done @!p0 $0x0  }
0x3a: {  	s25 =	simm.s32 $0x7;
	[sflag:s24] =	ssyncadd.s32 @!p0 $0xFFFFFE00  }
0x3b: {  	_ =	swait.ge [sflag:s25], $0x10000  }
0x3c: {  	[sflag:s25] =	ssyncset.done $0x0  }
0x3d: {  	[sflag:s25] =	ssyncadd.s32 $0xFFFF0000  }
0x3e: {  	s1 =	sshll.u32 @!p0 s4, $0x6;
	[bflag:$0x0] =	sbarrier.arrive $0xFFFF  }
0x3f: {  	s26 =	sor.u32 $0x1C09, s0;
	s1 =	sor.u32 @!p0 $0x1C0A, s1;
	s12 =	rddreg [dreg:$0xa]  }
0x40: {  	[hbm:s12@s11], [sflag:s26] =	dma.strided [spmem:s15@s28], $0x1000, s23, $0x10   }
0x41: {  	s9 =	sshrl.u32 @!p0 s8, $0x3;
	[dreg:$0x11] =	wrdreg s1  }
0x42: {  	[dreg:$0x12] =	wrdreg s9  }
0x43: {  	s30 =	simm.s32 @!p0 $0xA;
	s0 =	rddreg [dreg:$0xb]  }
0x44: {  	[hbm:s0], [sflag:s1] =	dma.local @!p0 [spmem:s9], $0x20  }
0x45: {  	_ =	swait.ge @!p0 [sflag:s30], $0x20  }
0x46: {  	[sflag:s30] =	ssyncset.done @!p0 $0x0  }
0x47: {  	s31 =	simm.s32 $0x9;
	[sflag:s30] =	ssyncadd.s32 @!p0 $0xFFFFFFE0  }
0x48: {  	_ =	swait.ge [sflag:s31], $0x1000  }
0x49: {  	[sflag:s31] =	ssyncset.done $0x0  }
0x4a: {  	[sflag:s31] =	ssyncadd.s32 $0xFFFFF000  }
0x4b: {  	[bflag:$0x0] =	sbarrier.arrive $0xFFFF  }
0x4c: {  	[spmem:s15@s28], [sflag:s14] =	dma.strided [hbm:s5@s11], $0x1000, s23, $0x10   }
0x4d: {  	_ =	swait.ge [sflag:s16], $0x1000  }
0x4e: {  	[sflag:s16] =	ssyncset.done $0x0  }
0x4f: {  	[sflag:s16] =	ssyncadd.s32 $0xFFFFF000  }
0x50: {  	s0 =	simm.s32 $0x3;
	[bflag:$0x0] =	sbarrier.arrive $0xFFFF  }
0x51: {  	_ =	swait.ge [sflag:s0], $0x200  }
0x52: {  	p1 =	seq.s32 s13, $0x0;
	[sflag:s0] =	ssyncset.done $0x0  }
0x53: {  	s19 =	sshll.u32 s19, $0x8;
	s1 =	simm.s32 @p1 $0x7;
	[sflag:s0] =	ssyncadd.s32 $0xFFFFFE00  }
0x54: {  	[spmem:s21] =	stream.indirect.scatter.add.f32 [tilespmem:s6], [sflag:$0x7], $0x80, s10, s29, $0xb8;
	[tilespmem:$0x18748] =	vst v63  }
0x55: {  	s2 =	sor.u32 s2, s19;
	_ =	swait.ge @p1 [sflag:s1], $0x10000  }
0x56: {  	s2 =	sshrl.u32 s2, $0x3;
	[sflag:s1] =	ssyncset.done @p1 $0x0  }
0x57: {  	s9 =	simm.s32 @p1 $0x8;
	s23 =	simm.s32 @!p1 $0x8;
	[sflag:s1] =	ssyncadd.s32 @p1 $0xFFFF0000  }
0x58: {  	s21 =	sadd.s32 s3, s2;
	s6 =	sshrl.u32 @p1 s7, $0x3;
	[bflag:$0x0] =	sbarrier.arrive @p1 $0xFFFF  }
0x59: {  	s2 =	simm.s32 @p1 $0x100;
	s3 =	simm.s32 @p1 $0x80;
	[dreg:$0x13] =	wrdreg s6  }
0x5a: {  	[hbm:s21@s2], [sflag:s26] =	dma.strided @p1 [spmem:s6@s3], $0x1000, s9, $0x10   }
0x5b: {  	s2 =	simm.s32 @!p1 $0x18548;
	s3 =	simm.s32 @!p1 $0x200;
	s6 =	simm.s32 @!p1 $0x8348  }
0x5c: {  	[spmem:s22] =	stream.indirect.scatter.add.f32 @!p1 [tilespmem:s2], [sflag:$0x8], $0x1, s6, s3, $0xb8;
	[tilespmem:$0x18748] =	vst v63  }
0x5d: {  	_ =	swait.ge @!p1 [sflag:s23], $0x200  }
0x5e: {  	[sflag:s23] =	ssyncset.done @!p1 $0x0  }
0x5f: {  	s2 =	simm.s32 @!p1 $0x7;
	[sflag:s23] =	ssyncadd.s32 @!p1 $0xFFFFFE00  }
0x60: {  	_ =	swait.ge @!p1 [sflag:s2], $0x10000  }
0x61: {  	[sflag:s2] =	ssyncset.done @!p1 $0x0  }
0x62: {  	[sflag:s2] =	ssyncadd.s32 @!p1 $0xFFFF0000  }
0x63: {  	s3 =	sshrl.u32 @!p1 s7, $0x3;
	[bflag:$0x0] =	sbarrier.arrive @!p1 $0xFFFF  }
0x64: {  	s6 =	simm.s32 @!p1 $0x80;
	s7 =	simm.s32 @!p1 $0x100;
	[dreg:$0x14] =	wrdreg s3  }
0x65: {  	[hbm:s21@s7], [sflag:s26] =	dma.strided @!p1 [spmem:s3@s6], $0x1000, s23, $0x10   }
0x66: {  	s7 =	sshll.u32 @!p1 s4, $0x6  }
0x67: {  	s28 =	ssub.s32 $0x2, s13;
	s19 =	rddreg [dreg:$0xc];
	s3 =	sor.u32 @!p1 $0x1C0A, s7  }
0x68: {  	s29 =	sshrl.u32 s28, $0x1;
	s4 =	sshrl.u32 @!p1 s8, $0x3;
	[dreg:$0x15] =	wrdreg s3  }
0x69: {  	[hbm:s19], [sflag:s3] =	dma.local @!p1 [spmem:s4], $0x20  }
0x6a: {  	s19 =	ssub.s32 s28, s29  }
0x6b: {  	s19 =	smax.u32 s19, $0x1  }
0x6c: {  	s13 =	simm.s32 @!p1 $0xA;
	s19 =	sadd.s32 $0xFFFFFFFF, s19  }
0x6d: {  	_ =	swait.ge @!p1 [sflag:s13], $0x20;
	p2 =	sne.s32 s19, $0x0  }
.Ltmp0:
0x6e: {  	[sflag:s13] =	ssyncset.done @!p1 $0x0;
	(pc) =	sbr.rel @!p2 .LBB2_3-.Ltmp0, $4  }
0x6f: {  	[sflag:s13] =	ssyncadd.s32 @!p1 $0xFFFFFFE0  }
0x70: {  	_ =	swait.ge [sflag:s31], $0x1000  }
0x71: {  	[sflag:s31] =	ssyncset.done $0x0  }
0x72: {  	[sflag:s31] =	ssyncadd.s32 $0xFFFFF000  }
0x73: {  	s12 =	smov.u32 s4  }
0x74: {  	s9 =	simm.s32 $0x8548;
	s10 =	simm.s32 $0x8348;
	s11 =	simm.s32 $0x100  }
.LBB2_2:
0x75: {  	[bflag:$0x0] =	sbarrier.arrive $0xFFFF  }
0x76: {  	s28 =	rddreg [dreg:$0xe]  }
0x77: {  	s29 =	rddreg [dreg:$0x9]  }
0x78: {  	s4 =	rddreg [dreg:$0x8]  }
0x79: {  	s22 =	rddreg [dreg:$0x5]  }
0x7a: {  	s3 =	rddreg [dreg:$0xd]  }
0x7b: {  	s6 =	rddreg [dreg:$0xf]  }
0x7c: {  	s7 =	rddreg [dreg:$0x6]  }
0x7d: {  	[tilespmem:s9], [sflag:$0x1] =	stream.strided.gather [hbm4b:s22+s3], $0x10000, s28, s3, $0x38;
	[tilespmem:$0x18748] =	vst v63  }
0x7e: {  	s8 =	rddreg [dreg:$0x4];
	s22 =	simm.s32 $0x0;
	s28 =	simm.s32 $0x8148  }
0x7f: {  	[tilespmem:s28], [sflag:$0x2] =	stream.linear.gather [hbm4b:s7+s22], $0x200, $0x38;
	[tilespmem:$0x18748] =	vst v63  }
0x80: {  	s3 =	rddreg [dreg:$0x7]  }
0x81: {  	[tilespmem:s10], [sflag:$0x3] =	stream.linear.gather [hbm4b:s3+s22], $0x200, $0x38;
	[tilespmem:$0x18748] =	vst v63  }
0x82: {  	s7 =	rddreg [dreg:$0x10]  }
0x83: {  	[tilespmem:s6], [sflag:$0x4] =	stream.linear.gather [hbm4b:s8+s22], $0x200, $0x38;
	[tilespmem:$0x18748] =	vst v63  }
0x84: {  	[spmem:s7], [sflag:s29] =	dma.local [hbm:s4], $0x20  }
0x85: {  	s22 =	simm.s32 $0x80;
	s8 =	simm.s32 $0x5;
	s7 =	simm.s32 $0x8  }
0x86: {  	[spmem:s15@s22], [sflag:s14] =	dma.strided [hbm:s5@s11], $0x1000, s7, $0x10   }
0x87: {  	_ =	swait.ge [sflag:s8], $0x20  }
0x88: {  	[sflag:s8] =	ssyncset.done $0x0  }
0x89: {  	[sflag:s8] =	ssyncadd.s32 $0xFFFFFFE0  }
0x8a: {  	_ =	swait.ge [sflag:s16], $0x1000  }
0x8b: {  	[sflag:s16] =	ssyncset.done $0x0  }
0x8c: {  	[sflag:s16] =	ssyncadd.s32 $0xFFFFF000  }
0x8d: {  	[bflag:$0x0] =	sbarrier.arrive $0xFFFF  }
0x8e: {  	_ =	swait.ge [sflag:s17], $0x10000  }
0x8f: {  	[sflag:s17] =	ssyncset.done $0x0  }
0x90: {  	[sflag:s17] =	ssyncadd.s32 $0xFFFF0000  }
0x91: {  	_ =	swait.ge [sflag:s18], $0x200  }
0x92: {  	[sflag:s18] =	ssyncset.done $0x0  }
0x93: {  	[sflag:s18] =	ssyncadd.s32 $0xFFFFFE00  }
0x94: {  	s29 =	simm.s32 $0x200;
	s4 =	rddreg [dreg:$0x1]  }
0x95: {  	[spmem:s4] =	stream.indirect.scatter.add.f32 [tilespmem:s9], [sflag:$0x7], $0x80, s28, s29, $0xb8;
	[tilespmem:$0x18748] =	vst v63  }
0x96: {  	_ =	swait.ge @!p0 [sflag:s20], $0x200  }
0x97: {  	[sflag:s20] =	ssyncset.done @!p0 $0x0  }
0x98: {  	s3 =	simm.s32 @!p0 $0x18548;
	[sflag:s20] =	ssyncadd.s32 @!p0 $0xFFFFFE00  }
0x99: {  	s8 =	simm.s32 @!p0 $0x8148;
	s28 =	simm.s32 @!p0 $0x200;
	s6 =	rddreg [dreg:$0x2]  }
0x9a: {  	[spmem:s6] =	stream.indirect.scatter.add.f32 @!p0 [tilespmem:s3], [sflag:$0x8], $0x1, s8, s28, $0xb8;
	[tilespmem:$0x18748] =	vst v63  }
0x9b: {  	_ =	swait.ge @!p0 [sflag:s24], $0x200  }
0x9c: {  	[sflag:s24] =	ssyncset.done @!p0 $0x0  }
0x9d: {  	[sflag:s24] =	ssyncadd.s32 @!p0 $0xFFFFFE00  }
0x9e: {  	_ =	swait.ge [sflag:s25], $0x10000  }
0x9f: {  	[sflag:s25] =	ssyncset.done $0x0  }
0xa0: {  	[sflag:s25] =	ssyncadd.s32 $0xFFFF0000  }
0xa1: {  	[bflag:$0x0] =	sbarrier.arrive $0xFFFF  }
0xa2: {  	s28 =	rddreg [dreg:$0xa]  }
0xa3: {  	[hbm:s28@s11], [sflag:s26] =	dma.strided [spmem:s15@s22], $0x1000, s7, $0x10   }
0xa4: {  	s3 =	rddreg [dreg:$0xb]  }
0xa5: {  	s8 =	rddreg [dreg:$0x11]  }
0xa6: {  	s28 =	rddreg [dreg:$0x12]  }
0xa7: {  	[hbm:s3], [sflag:s8] =	dma.local @!p0 [spmem:s28], $0x20  }
0xa8: {  	_ =	swait.ge @!p0 [sflag:s30], $0x20  }
0xa9: {  	[sflag:s30] =	ssyncset.done @!p0 $0x0  }
0xaa: {  	[sflag:s30] =	ssyncadd.s32 @!p0 $0xFFFFFFE0  }
0xab: {  	_ =	swait.ge [sflag:s31], $0x1000  }
0xac: {  	[sflag:s31] =	ssyncset.done $0x0  }
0xad: {  	[sflag:s31] =	ssyncadd.s32 $0xFFFFF000  }
0xae: {  	[bflag:$0x0] =	sbarrier.arrive $0xFFFF  }
0xaf: {  	[spmem:s15@s22], [sflag:s14] =	dma.strided [hbm:s5@s11], $0x1000, s7, $0x10   }
0xb0: {  	_ =	swait.ge [sflag:s16], $0x1000  }
0xb1: {  	[sflag:s16] =	ssyncset.done $0x0  }
0xb2: {  	[sflag:s16] =	ssyncadd.s32 $0xFFFFF000  }
0xb3: {  	[bflag:$0x0] =	sbarrier.arrive $0xFFFF  }
0xb4: {  	_ =	swait.ge [sflag:s0], $0x200  }
0xb5: {  	[sflag:s0] =	ssyncset.done $0x0  }
0xb6: {  	[sflag:s0] =	ssyncadd.s32 $0xFFFFFE00  }
0xb7: {  	[spmem:s4] =	stream.indirect.scatter.add.f32 [tilespmem:s9], [sflag:$0x7], $0x80, s10, s29, $0xb8;
	[tilespmem:$0x18748] =	vst v63  }
0xb8: {  	_ =	swait.ge @p1 [sflag:s1], $0x10000  }
0xb9: {  	[sflag:s1] =	ssyncset.done @p1 $0x0  }
0xba: {  	[sflag:s1] =	ssyncadd.s32 @p1 $0xFFFF0000  }
0xbb: {  	s3 =	simm.s32 @p1 $0x100;
	[bflag:$0x0] =	sbarrier.arrive @p1 $0xFFFF  }
0xbc: {  	s8 =	simm.s32 @p1 $0x8;
	s4 =	simm.s32 @p1 $0x80;
	s7 =	rddreg [dreg:$0x13]  }
0xbd: {  	[hbm:s21@s3], [sflag:s26] =	dma.strided @p1 [spmem:s7@s4], $0x1000, s8, $0x10   }
0xbe: {  	s3 =	simm.s32 @!p1 $0x18548;
	s4 =	simm.s32 @!p1 $0x200;
	s7 =	simm.s32 @!p1 $0x8348  }
0xbf: {  	[spmem:s6] =	stream.indirect.scatter.add.f32 @!p1 [tilespmem:s3], [sflag:$0x8], $0x1, s7, s4, $0xb8;
	[tilespmem:$0x18748] =	vst v63  }
0xc0: {  	_ =	swait.ge @!p1 [sflag:s23], $0x200  }
0xc1: {  	[sflag:s23] =	ssyncset.done @!p1 $0x0  }
0xc2: {  	[sflag:s23] =	ssyncadd.s32 @!p1 $0xFFFFFE00  }
0xc3: {  	_ =	swait.ge @!p1 [sflag:s2], $0x10000  }
0xc4: {  	[sflag:s2] =	ssyncset.done @!p1 $0x0  }
0xc5: {  	[sflag:s2] =	ssyncadd.s32 @!p1 $0xFFFF0000  }
0xc6: {  	[bflag:$0x0] =	sbarrier.arrive @!p1 $0xFFFF  }
0xc7: {  	s4 =	simm.s32 @!p1 $0x80;
	s6 =	simm.s32 @!p1 $0x100;
	s3 =	rddreg [dreg:$0x14]  }
0xc8: {  	[hbm:s21@s6], [sflag:s26] =	dma.strided @!p1 [spmem:s3@s4], $0x1000, s23, $0x10   }
0xc9: {  	s3 =	rddreg [dreg:$0xc]  }
0xca: {  	s19 =	sadd.s32 $0xFFFFFFFF, s19;
	s4 =	rddreg [dreg:$0x15]  }
0xcb: {  	[hbm:s3], [sflag:s4] =	dma.local @!p1 [spmem:s12], $0x20  }
0xcc: {  	p2 =	sne.s32 s19, $0x0;
	_ =	swait.ge @!p1 [sflag:s13], $0x20  }
.Ltmp1:
0xcd: {  	[sflag:s13] =	ssyncset.done @!p1 $0x0;
	(pc) =	sbr.rel @p2 .LBB2_2-.Ltmp1, $4  }
0xce: {  	[sflag:s13] =	ssyncadd.s32 @!p1 $0xFFFFFFE0  }
0xcf: {  	_ =	swait.ge [sflag:s31], $0x1000  }
0xd0: {  	[sflag:s31] =	ssyncset.done $0x0  }
0xd1: {  	[sflag:s31] =	ssyncadd.s32 $0xFFFFF000  }
.LBB2_3:
0xd2: {  	[bflag:$0x0] =	sbarrier.arrive $0xFFFF  }
0xd3: {  	_ =	sfence.sel $0x180000  }
0xd4: {  	[bflag:$0x0] =	sbarrier.arrive $0xFFFF  }
0xd5: {  	_ =	strace $0x90000047  }
0xd6: {  	s0 =	stileid.u32;
	[bflag:$0x2] =	sbarrier.arrive $0xFFFF  }
0xd7: {  	p0 =	sne.s32 s0, $0x0;
	s0 =	rddreg [dreg:$0x3]  }
0xd8: {  	s0 =	sadd.s32 @!p0 $0x100000, s0  }
0xd9: {  	[sflag:s0] =	ssyncadd.tile.s32 @!p0 $0x1;
	_ =	shalt  }
.Lfunc_end2:
_tile_overlayer_lowered:
.L_overlay_start_2:
0xda: {  	(tag) =	ssettag $0x2  }
0xdb: {  	s0 =	rddreg [dreg:$0x0];
	s2 =	stileid.u32  }
0xdc: {  	s1 =	rddreg [dreg:$0x1];
	p0 =	sne.s32 s2, $0x0  }
0xdd: {  	s3 =	rddreg [dreg:$0x2];
	[bflag:$0x3] =	sbarrier.arrive $0xFFFF;
	s2 =	simm.s32 @!p0 $0x1C0B  }
0xde: {  	[timem:s3], [sflag:s2] =	dma.local @!p0 [hbm:s0], s1  }
0xdf: {  	s0 =	simm.s32 @!p0 $0xB  }
0xe0: {  	_ =	swait.ge @!p0 [sflag:s0], s1  }
0xe1: {  	s1 =	ssub.s32 @!p0 $0x0, s1;
	[sflag:s0] =	ssyncset.done @!p0 $0x0  }
0xe2: {  	[sflag:s0] =	ssyncadd.s32 @!p0 s1  }
0xe3: {  	[bflag:$0x3] =	sbarrier.arrive $0xFFFF  }
0xe4: {  	_ =	shalt  }

</sc_bundles>
